<compile_context>
chip_gen: v7x
topology: tpu7x:2x2x1
jax: 0.10.2.dev20260603
libtpu: 0.0.44.dev20260713+nightly
codegen_flags: <defaults>
</compile_context>

<pallas_src>
import jax
import jax.numpy as jnp
from jax import lax
from jax.experimental import pallas as pl
from jax.experimental.pallas import tpu as pltpu
from jax.experimental.pallas import tpu_sc as plsc

_N_TASKS = 1000
_N_SPLITS = 8
_N_SKILLS = 64
_TOPK = 3
_BATCH = 16384


def _table_body(ml_ref, out_ref):
    n = ml_ref.shape[0]
    iota = lax.broadcasted_iota(jnp.int32, (n, _N_SKILLS), 1)
    vals = []
    sels = []
    for s_grp in range(_TOPK):
        x = ml_ref[:, s_grp * _N_SKILLS:(s_grp + 1) * _N_SKILLS]
        m = jnp.max(x, axis=1, keepdims=True)
        e = jnp.exp(x - m)
        p = e / jnp.sum(e, axis=1, keepdims=True)
        w = p
        v_k = []
        s_k = []
        for _ in range(_TOPK):
            v = jnp.max(w, axis=1, keepdims=True)
            cand = jnp.where(w == v, iota, _N_SKILLS)
            i = jnp.min(cand, axis=1, keepdims=True)
            sel = iota == i
            v_k.append(v)
            s_k.append(sel)
            w = jnp.where(sel, -jnp.inf, w)
        vals.append(v_k)
        sels.append(s_k)
    outs = []
    for s in range(_TOPK):
        acc = jnp.zeros((n, _N_SKILLS), jnp.float32)
        for k in range(_TOPK):
            denom = vals[0][k] + vals[1][k] + vals[2][k]
            acc = acc + jnp.where(sels[s][k], vals[s][k] / denom, 0.0)
        outs.append(acc)
    outs.append(jnp.zeros((n, _N_SKILLS), jnp.float32))
    out_ref[...] = jnp.concatenate(outs, axis=1)


def _build_table(module_logits):
    return pl.pallas_call(
        _table_body,
        out_shape=jax.ShapeDtypeStruct((_N_TASKS, 4 * _N_SKILLS), jnp.float32),
    )(module_logits)


_D = 4 * _N_SKILLS
_NW = 32
_CHUNK = 128


def _make_gather_body(batch):
    b_per_w = batch // _NW
    n_chunks = max(1, b_per_w // _CHUNK)
    chunk = b_per_w // n_chunks

    def body(table_hbm, idx_hbm, out_hbm, idx_v, buf0, buf1, g0, g1, w0, w1):
        wid = lax.axis_index("s") * 2 + lax.axis_index("c")
        base = wid * b_per_w
        pltpu.sync_copy(idx_hbm.at[pl.ds(base, b_per_w)], idx_v)
        bufs = (buf0, buf1)
        gsems = (g0, g1)
        wsems = (w0, w1)

        def start_gather(c):
            return pltpu.async_copy(
                table_hbm.at[idx_v.at[pl.ds(c * chunk, chunk)]],
                bufs[c % 2],
                gsems[c % 2],
            )

        def start_write(c):
            return pltpu.async_copy(
                bufs[c % 2],
                out_hbm.at[pl.ds(base + c * chunk, chunk)],
                wsems[c % 2],
            )

        gathers = [None] * n_chunks
        writes = [None] * n_chunks
        gathers[0] = start_gather(0)
        for c in range(n_chunks):
            if c + 1 < n_chunks:
                if c >= 1:
                    writes[c - 1].wait()
                gathers[c + 1] = start_gather(c + 1)
            gathers[c].wait()
            writes[c] = start_write(c)
        for w in writes[-2:]:
            w.wait()

    return body, chunk, b_per_w


def _gather(table, task_ids):
    batch = task_ids.shape[0]
    body, chunk, b_per_w = _make_gather_body(batch)
    mesh = plsc.VectorSubcoreMesh(core_axis_name="c", subcore_axis_name="s")
    grab = pl.kernel(
        body,
        out_type=jax.ShapeDtypeStruct((batch, _D), jnp.float32),
        mesh=mesh,
        scratch_types=[
            pltpu.VMEM((b_per_w,), jnp.int32),
            pltpu.VMEM((chunk, _D), jnp.float32),
            pltpu.VMEM((chunk, _D), jnp.float32),
            pltpu.SemaphoreType.DMA,
            pltpu.SemaphoreType.DMA,
            pltpu.SemaphoreType.DMA,
            pltpu.SemaphoreType.DMA,
        ],
    )
    return grab(table, task_ids)


def _expand(flat):
    batch = flat.shape[0]
    top = flat.reshape(batch, 4, _N_SKILLS)
    tail = jnp.zeros((batch, _N_SPLITS - 4, _N_SKILLS), jnp.float32)
    return jnp.concatenate([top, tail], axis=1)


def kernel(task_ids, module_logits):
    table = _build_table(module_logits)
    n_pieces = 2
    piece = _BATCH // n_pieces
    outs = []
    for p in range(n_pieces):
        flat = _gather(table, task_ids[p * piece:(p + 1) * piece])
        outs.append(_expand(flat))
    return jnp.concatenate(outs, axis=0)

# --- scband reference (transcript-rebuilt; emitter-appended) ---
"""Pipeline reference for scband-mo-eselector-1700807049851 (READ-ONLY COPY).

The authoritative reference and input builder live on the scoring server;
editing this copy changes nothing except your own understanding.
"""

import jax, jax.numpy as jnp
import numpy as np

N_TASKS = 1000
N_SPLITS = 8
N_SKILLS = 64
TOPK = 3
BATCH = 16384


def setup_inputs(seed: int = 0) -> dict:
    key = jax.random.key(seed)
    k1, k2 = jax.random.split(key)
    task_ids = jax.random.randint(k1, (BATCH,), 0, N_TASKS, dtype=jnp.int32)
    # nn.Parameter initialized uniform_(-0.001, 0.001)
    module_logits = jax.random.uniform(
        k2, (N_TASKS, N_SPLITS * N_SKILLS), minval=-0.001, maxval=0.001, dtype=jnp.float32
    )
    return {"task_ids": task_ids, "module_logits": module_logits}


def reference(task_ids, module_logits):
    # module_logits = self.module_logits[routing_infos.task_ids]
    ml = jnp.take(module_logits, task_ids, axis=0)
    B = task_ids.shape[0]
    ml = ml.reshape(B, N_SPLITS, N_SKILLS)
    # eval mode: no gaussian noise added
    probs = jax.nn.softmax(ml, axis=-1)
    top_probs, top_indices = jax.lax.top_k(probs, TOPK)  # [B, n_splits, topk]
    # NOTE: faithful to original torch code, which slices dim=1 (splits) to :topk
    top_k_probs = top_probs[:, :TOPK]      # [B, min(n_splits,3), topk]
    top_k_indices = top_indices[:, :TOPK]  # [B, min(n_splits,3), topk]
    top_k_probs = top_k_probs / jnp.sum(top_k_probs, axis=1, keepdims=True)
    zeros = jnp.zeros_like(probs)
    S = top_k_indices.shape[1]
    b_idx = jnp.arange(B)[:, None, None]
    s_idx = jnp.arange(S)[None, :, None]
    # torch scatter(dim=2, index=top_k_indices, src=top_k_probs)
    module_weights = zeros.at[b_idx, s_idx, top_k_indices].set(top_k_probs)
    return module_weights

if __name__ == "__main__":
    import jax
    _d = setup_inputs()
    print(jax.jit(kernel)(*tuple(_d.values())))

</pallas_src>

<mosaic_0001>
#map = affine_map<(d0, d1) -> (0, 0)>
#map1 = affine_map<(d0, d1) -> (0)>
module attributes {stable_mosaic.version = 14 : i64} {
  func.func @body(%arg0: i32, %arg1: i32, %arg2: memref<1000x256xf32, #tpu.memory_space<hbm>>, %arg3: memref<8192xi32, #tpu.memory_space<hbm>>, %arg4: memref<8192x256xf32, #tpu.memory_space<hbm>>, %arg5: memref<256xi32, #tpu.memory_space<vmem>>, %arg6: memref<128x256xf32, #tpu.memory_space<vmem>>, %arg7: memref<128x256xf32, #tpu.memory_space<vmem>>, %arg8: memref<!tpu.dma_semaphore, #tpu.memory_space<semaphore_mem>>, %arg9: memref<!tpu.dma_semaphore, #tpu.memory_space<semaphore_mem>>, %arg10: memref<!tpu.dma_semaphore, #tpu.memory_space<semaphore_mem>>, %arg11: memref<!tpu.dma_semaphore, #tpu.memory_space<semaphore_mem>>) attributes {dimension_semantics = [#tpu.dimension_semantics<core_parallel>, #tpu.dimension_semantics<subcore_parallel>], iteration_bounds = array<i64: 2, 16>, scalar_prefetch = 0 : i64, scratch_operands = 7 : i64, tpu.core_type = #tpu.core_type<sc_vector_subcore>, window_params = [{transform_indices = #map}, {transform_indices = #map1}, {transform_indices = #map}]} {
    %mul3A = arith.constant 2 : i32
    %mul3A_0 = arith.muli %arg1, %mul3A : i32
    %add3A = arith.addi %mul3A_0, %arg0 : i32
    %mul3A_1 = arith.constant 256 : i32
    %mul3A_2 = arith.muli %add3A, %mul3A_1 : i32
    "tpu.region"() ({
      %run_scoped3A = tpu.sem_alloc : memref<!tpu.dma_semaphore, #tpu.memory_space<semaphore_mem>>
      %dma_start3A_41 = tpu.memref_slice %arg3[%mul3A_2] : memref<8192xi32, #tpu.memory_space<hbm>> -> memref<256xi32, #tpu.memory_space<hbm>>
      %dma_start3A_42 = tpu.memref_slice %arg3[%mul3A_2] : memref<8192xi32, #tpu.memory_space<hbm>> -> memref<256xi32, #tpu.memory_space<hbm>>
      tpu.enqueue_dma source(%dma_start3A_42 : memref<256xi32, #tpu.memory_space<hbm>>) target(%arg5 : memref<256xi32, #tpu.memory_space<vmem>>) target_semaphore(%run_scoped3A : memref<!tpu.dma_semaphore, #tpu.memory_space<semaphore_mem>>)
      %dma_wait3A_43 = tpu.memref_slice %arg3[%mul3A_2] : memref<8192xi32, #tpu.memory_space<hbm>> -> memref<256xi32, #tpu.memory_space<hbm>>
      %dma_wait3A_44 = tpu.memref_slice %arg3[%mul3A_2] : memref<8192xi32, #tpu.memory_space<hbm>> -> memref<256xi32, #tpu.memory_space<hbm>>
      tpu.wait_dma2 semaphore(%run_scoped3A : memref<!tpu.dma_semaphore, #tpu.memory_space<semaphore_mem>>) src(%dma_wait3A_44 : memref<256xi32, #tpu.memory_space<hbm>>) dst(%arg5 : memref<256xi32, #tpu.memory_space<vmem>>)
      tpu.yield
    }) : () -> ()
    %dma_start3A = arith.constant 0 : i32
    %dma_start3A_3 = tpu.memref_slice %arg5[%dma_start3A] : memref<256xi32, #tpu.memory_space<vmem>> -> memref<128xi32, #tpu.memory_space<vmem>>
    %dma_start3A_4 = arith.constant 0 : i32
    %dma_start3A_5 = arith.constant 0 : i32
    %dma_start3A_6 = tpu.memref_slice %arg2[%dma_start3A_4, %dma_start3A_5] : memref<1000x256xf32, #tpu.memory_space<hbm>> -> memref<1000x256xf32, #tpu.memory_space<hbm>>
    tpu.enqueue_indirect_dma source(%dma_start3A_6 : memref<1000x256xf32, #tpu.memory_space<hbm>>) target(%arg6 : memref<128x256xf32, #tpu.memory_space<vmem>>) offsets(%dma_start3A_3 : memref<128xi32, #tpu.memory_space<vmem>>) semaphore(%arg8 : memref<!tpu.dma_semaphore, #tpu.memory_space<semaphore_mem>>)
    %dma_start3A_7 = arith.constant 128 : i32
    %dma_start3A_8 = tpu.memref_slice %arg5[%dma_start3A_7] : memref<256xi32, #tpu.memory_space<vmem>> -> memref<128xi32, #tpu.memory_space<vmem>>
    %dma_start3A_9 = arith.constant 0 : i32
    %dma_start3A_10 = arith.constant 0 : i32
    %dma_start3A_11 = tpu.memref_slice %arg2[%dma_start3A_9, %dma_start3A_10] : memref<1000x256xf32, #tpu.memory_space<hbm>> -> memref<1000x256xf32, #tpu.memory_space<hbm>>
    tpu.enqueue_indirect_dma source(%dma_start3A_11 : memref<1000x256xf32, #tpu.memory_space<hbm>>) target(%arg7 : memref<128x256xf32, #tpu.memory_space<vmem>>) offsets(%dma_start3A_8 : memref<128xi32, #tpu.memory_space<vmem>>) semaphore(%arg9 : memref<!tpu.dma_semaphore, #tpu.memory_space<semaphore_mem>>)
    %dma_wait3A = arith.constant 0 : i32
    %dma_wait3A_12 = tpu.memref_slice %arg5[%dma_wait3A] : memref<256xi32, #tpu.memory_space<vmem>> -> memref<128xi32, #tpu.memory_space<vmem>>
    %dma_wait3A_13 = arith.constant 0 : i32
    %dma_wait3A_14 = arith.constant 0 : i32
    %dma_wait3A_15 = tpu.memref_slice %arg2[%dma_wait3A_13, %dma_wait3A_14] : memref<1000x256xf32, #tpu.memory_space<hbm>> -> memref<1000x256xf32, #tpu.memory_space<hbm>>
    tpu.wait_indirect_dma semaphore(%arg8 : memref<!tpu.dma_semaphore, #tpu.memory_space<semaphore_mem>>) src(%dma_wait3A_15 : memref<1000x256xf32, #tpu.memory_space<hbm>>) dst(%arg6 : memref<128x256xf32, #tpu.memory_space<vmem>>)
    %add3A_16 = arith.constant 0 : i32
    %add3A_17 = arith.addi %mul3A_2, %add3A_16 : i32
    %dma_start3A_18 = arith.constant 0 : i32
    %dma_start3A_19 = tpu.memref_slice %arg4[%add3A_17, %dma_start3A_18] : memref<8192x256xf32, #tpu.memory_space<hbm>> -> memref<128x256xf32, #tpu.memory_space<hbm>>
    %dma_start3A_20 = arith.constant 0 : i32
    %dma_start3A_21 = tpu.memref_slice %arg4[%add3A_17, %dma_start3A_20] : memref<8192x256xf32, #tpu.memory_space<hbm>> -> memref<128x256xf32, #tpu.memory_space<hbm>>
    tpu.enqueue_dma source(%arg6 : memref<128x256xf32, #tpu.memory_space<vmem>>) target(%dma_start3A_21 : memref<128x256xf32, #tpu.memory_space<hbm>>) target_semaphore(%arg10 : memref<!tpu.dma_semaphore, #tpu.memory_space<semaphore_mem>>)
    %dma_wait3A_22 = arith.constant 128 : i32
    %dma_wait3A_23 = tpu.memref_slice %arg5[%dma_wait3A_22] : memref<256xi32, #tpu.memory_space<vmem>> -> memref<128xi32, #tpu.memory_space<vmem>>
    %dma_wait3A_24 = arith.constant 0 : i32
    %dma_wait3A_25 = arith.constant 0 : i32
    %dma_wait3A_26 = tpu.memref_slice %arg2[%dma_wait3A_24, %dma_wait3A_25] : memref<1000x256xf32, #tpu.memory_space<hbm>> -> memref<1000x256xf32, #tpu.memory_space<hbm>>
    tpu.wait_indirect_dma semaphore(%arg9 : memref<!tpu.dma_semaphore, #tpu.memory_space<semaphore_mem>>) src(%dma_wait3A_26 : memref<1000x256xf32, #tpu.memory_space<hbm>>) dst(%arg7 : memref<128x256xf32, #tpu.memory_space<vmem>>)
    %add3A_27 = arith.constant 128 : i32
    %add3A_28 = arith.addi %mul3A_2, %add3A_27 : i32
    %dma_start3A_29 = arith.constant 0 : i32
    %dma_start3A_30 = tpu.memref_slice %arg4[%add3A_28, %dma_start3A_29] : memref<8192x256xf32, #tpu.memory_space<hbm>> -> memref<128x256xf32, #tpu.memory_space<hbm>>
    %dma_start3A_31 = arith.constant 0 : i32
    %dma_start3A_32 = tpu.memref_slice %arg4[%add3A_28, %dma_start3A_31] : memref<8192x256xf32, #tpu.memory_space<hbm>> -> memref<128x256xf32, #tpu.memory_space<hbm>>
    tpu.enqueue_dma source(%arg7 : memref<128x256xf32, #tpu.memory_space<vmem>>) target(%dma_start3A_32 : memref<128x256xf32, #tpu.memory_space<hbm>>) target_semaphore(%arg11 : memref<!tpu.dma_semaphore, #tpu.memory_space<semaphore_mem>>)
    %dma_wait3A_33 = arith.constant 0 : i32
    %dma_wait3A_34 = tpu.memref_slice %arg4[%add3A_17, %dma_wait3A_33] : memref<8192x256xf32, #tpu.memory_space<hbm>> -> memref<128x256xf32, #tpu.memory_space<hbm>>
    %dma_wait3A_35 = arith.constant 0 : i32
    %dma_wait3A_36 = tpu.memref_slice %arg4[%add3A_17, %dma_wait3A_35] : memref<8192x256xf32, #tpu.memory_space<hbm>> -> memref<128x256xf32, #tpu.memory_space<hbm>>
    tpu.wait_dma2 semaphore(%arg10 : memref<!tpu.dma_semaphore, #tpu.memory_space<semaphore_mem>>) src(%arg6 : memref<128x256xf32, #tpu.memory_space<vmem>>) dst(%dma_wait3A_36 : memref<128x256xf32, #tpu.memory_space<hbm>>)
    %dma_wait3A_37 = arith.constant 0 : i32
    %dma_wait3A_38 = tpu.memref_slice %arg4[%add3A_28, %dma_wait3A_37] : memref<8192x256xf32, #tpu.memory_space<hbm>> -> memref<128x256xf32, #tpu.memory_space<hbm>>
    %dma_wait3A_39 = arith.constant 0 : i32
    %dma_wait3A_40 = tpu.memref_slice %arg4[%add3A_28, %dma_wait3A_39] : memref<8192x256xf32, #tpu.memory_space<hbm>> -> memref<128x256xf32, #tpu.memory_space<hbm>>
    tpu.wait_dma2 semaphore(%arg11 : memref<!tpu.dma_semaphore, #tpu.memory_space<semaphore_mem>>) src(%arg7 : memref<128x256xf32, #tpu.memory_space<vmem>>) dst(%dma_wait3A_40 : memref<128x256xf32, #tpu.memory_space<hbm>>)
    return
  }
}

#map = affine_map<(d0, d1) -> (0, 0)>
#map1 = affine_map<(d0, d1) -> (0)>
module attributes {stable_mosaic.version = 14 : i64} {
  func.func @body(%arg0: i32, %arg1: i32, %arg2: memref<1000x256xf32, #tpu.memory_space<hbm>>, %arg3: memref<8192xi32, #tpu.memory_space<hbm>>, %arg4: memref<8192x256xf32, #tpu.memory_space<hbm>>, %arg5: memref<256xi32, #tpu.memory_space<vmem>>, %arg6: memref<128x256xf32, #tpu.memory_space<vmem>>, %arg7: memref<128x256xf32, #tpu.memory_space<vmem>>, %arg8: memref<!tpu.dma_semaphore, #tpu.memory_space<semaphore_mem>>, %arg9: memref<!tpu.dma_semaphore, #tpu.memory_space<semaphore_mem>>, %arg10: memref<!tpu.dma_semaphore, #tpu.memory_space<semaphore_mem>>, %arg11: memref<!tpu.dma_semaphore, #tpu.memory_space<semaphore_mem>>) attributes {dimension_semantics = [#tpu.dimension_semantics<core_parallel>, #tpu.dimension_semantics<subcore_parallel>], iteration_bounds = array<i64: 2, 16>, scalar_prefetch = 0 : i64, scratch_operands = 7 : i64, tpu.core_type = #tpu.core_type<sc_vector_subcore>, window_params = [{transform_indices = #map}, {transform_indices = #map1}, {transform_indices = #map}]} {
    %mul3A = arith.constant 2 : i32
    %mul3A_0 = arith.muli %arg1, %mul3A : i32
    %add3A = arith.addi %mul3A_0, %arg0 : i32
    %mul3A_1 = arith.constant 256 : i32
    %mul3A_2 = arith.muli %add3A, %mul3A_1 : i32
    "tpu.region"() ({
      %run_scoped3A = tpu.sem_alloc : memref<!tpu.dma_semaphore, #tpu.memory_space<semaphore_mem>>
      %dma_start3A_41 = tpu.memref_slice %arg3[%mul3A_2] : memref<8192xi32, #tpu.memory_space<hbm>> -> memref<256xi32, #tpu.memory_space<hbm>>
      %dma_start3A_42 = tpu.memref_slice %arg3[%mul3A_2] : memref<8192xi32, #tpu.memory_space<hbm>> -> memref<256xi32, #tpu.memory_space<hbm>>
      tpu.enqueue_dma source(%dma_start3A_42 : memref<256xi32, #tpu.memory_space<hbm>>) target(%arg5 : memref<256xi32, #tpu.memory_space<vmem>>) target_semaphore(%run_scoped3A : memref<!tpu.dma_semaphore, #tpu.memory_space<semaphore_mem>>)
      %dma_wait3A_43 = tpu.memref_slice %arg3[%mul3A_2] : memref<8192xi32, #tpu.memory_space<hbm>> -> memref<256xi32, #tpu.memory_space<hbm>>
      %dma_wait3A_44 = tpu.memref_slice %arg3[%mul3A_2] : memref<8192xi32, #tpu.memory_space<hbm>> -> memref<256xi32, #tpu.memory_space<hbm>>
      tpu.wait_dma2 semaphore(%run_scoped3A : memref<!tpu.dma_semaphore, #tpu.memory_space<semaphore_mem>>) src(%dma_wait3A_44 : memref<256xi32, #tpu.memory_space<hbm>>) dst(%arg5 : memref<256xi32, #tpu.memory_space<vmem>>)
      tpu.yield
    }) : () -> ()
    %dma_start3A = arith.constant 0 : i32
    %dma_start3A_3 = tpu.memref_slice %arg5[%dma_start3A] : memref<256xi32, #tpu.memory_space<vmem>> -> memref<128xi32, #tpu.memory_space<vmem>>
    %dma_start3A_4 = arith.constant 0 : i32
    %dma_start3A_5 = arith.constant 0 : i32
    %dma_start3A_6 = tpu.memref_slice %arg2[%dma_start3A_4, %dma_start3A_5] : memref<1000x256xf32, #tpu.memory_space<hbm>> -> memref<1000x256xf32, #tpu.memory_space<hbm>>
    tpu.enqueue_indirect_dma source(%dma_start3A_6 : memref<1000x256xf32, #tpu.memory_space<hbm>>) target(%arg6 : memref<128x256xf32, #tpu.memory_space<vmem>>) offsets(%dma_start3A_3 : memref<128xi32, #tpu.memory_space<vmem>>) semaphore(%arg8 : memref<!tpu.dma_semaphore, #tpu.memory_space<semaphore_mem>>)
    %dma_start3A_7 = arith.constant 128 : i32
    %dma_start3A_8 = tpu.memref_slice %arg5[%dma_start3A_7] : memref<256xi32, #tpu.memory_space<vmem>> -> memref<128xi32, #tpu.memory_space<vmem>>
    %dma_start3A_9 = arith.constant 0 : i32
    %dma_start3A_10 = arith.constant 0 : i32
    %dma_start3A_11 = tpu.memref_slice %arg2[%dma_start3A_9, %dma_start3A_10] : memref<1000x256xf32, #tpu.memory_space<hbm>> -> memref<1000x256xf32, #tpu.memory_space<hbm>>
    tpu.enqueue_indirect_dma source(%dma_start3A_11 : memref<1000x256xf32, #tpu.memory_space<hbm>>) target(%arg7 : memref<128x256xf32, #tpu.memory_space<vmem>>) offsets(%dma_start3A_8 : memref<128xi32, #tpu.memory_space<vmem>>) semaphore(%arg9 : memref<!tpu.dma_semaphore, #tpu.memory_space<semaphore_mem>>)
    %dma_wait3A = arith.constant 0 : i32
    %dma_wait3A_12 = tpu.memref_slice %arg5[%dma_wait3A] : memref<256xi32, #tpu.memory_space<vmem>> -> memref<128xi32, #tpu.memory_space<vmem>>
    %dma_wait3A_13 = arith.constant 0 : i32
    %dma_wait3A_14 = arith.constant 0 : i32
    %dma_wait3A_15 = tpu.memref_slice %arg2[%dma_wait3A_13, %dma_wait3A_14] : memref<1000x256xf32, #tpu.memory_space<hbm>> -> memref<1000x256xf32, #tpu.memory_space<hbm>>
    tpu.wait_indirect_dma semaphore(%arg8 : memref<!tpu.dma_semaphore, #tpu.memory_space<semaphore_mem>>) src(%dma_wait3A_15 : memref<1000x256xf32, #tpu.memory_space<hbm>>) dst(%arg6 : memref<128x256xf32, #tpu.memory_space<vmem>>)
    %add3A_16 = arith.constant 0 : i32
    %add3A_17 = arith.addi %mul3A_2, %add3A_16 : i32
    %dma_start3A_18 = arith.constant 0 : i32
    %dma_start3A_19 = tpu.memref_slice %arg4[%add3A_17, %dma_start3A_18] : memref<8192x256xf32, #tpu.memory_space<hbm>> -> memref<128x256xf32, #tpu.memory_space<hbm>>
    %dma_start3A_20 = arith.constant 0 : i32
    %dma_start3A_21 = tpu.memref_slice %arg4[%add3A_17, %dma_start3A_20] : memref<8192x256xf32, #tpu.memory_space<hbm>> -> memref<128x256xf32, #tpu.memory_space<hbm>>
    tpu.enqueue_dma source(%arg6 : memref<128x256xf32, #tpu.memory_space<vmem>>) target(%dma_start3A_21 : memref<128x256xf32, #tpu.memory_space<hbm>>) target_semaphore(%arg10 : memref<!tpu.dma_semaphore, #tpu.memory_space<semaphore_mem>>)
    %dma_wait3A_22 = arith.constant 128 : i32
    %dma_wait3A_23 = tpu.memref_slice %arg5[%dma_wait3A_22] : memref<256xi32, #tpu.memory_space<vmem>> -> memref<128xi32, #tpu.memory_space<vmem>>
    %dma_wait3A_24 = arith.constant 0 : i32
    %dma_wait3A_25 = arith.constant 0 : i32
    %dma_wait3A_26 = tpu.memref_slice %arg2[%dma_wait3A_24, %dma_wait3A_25] : memref<1000x256xf32, #tpu.memory_space<hbm>> -> memref<1000x256xf32, #tpu.memory_space<hbm>>
    tpu.wait_indirect_dma semaphore(%arg9 : memref<!tpu.dma_semaphore, #tpu.memory_space<semaphore_mem>>) src(%dma_wait3A_26 : memref<1000x256xf32, #tpu.memory_space<hbm>>) dst(%arg7 : memref<128x256xf32, #tpu.memory_space<vmem>>)
    %add3A_27 = arith.constant 128 : i32
    %add3A_28 = arith.addi %mul3A_2, %add3A_27 : i32
    %dma_start3A_29 = arith.constant 0 : i32
    %dma_start3A_30 = tpu.memref_slice %arg4[%add3A_28, %dma_start3A_29] : memref<8192x256xf32, #tpu.memory_space<hbm>> -> memref<128x256xf32, #tpu.memory_space<hbm>>
    %dma_start3A_31 = arith.constant 0 : i32
    %dma_start3A_32 = tpu.memref_slice %arg4[%add3A_28, %dma_start3A_31] : memref<8192x256xf32, #tpu.memory_space<hbm>> -> memref<128x256xf32, #tpu.memory_space<hbm>>
    tpu.enqueue_dma source(%arg7 : memref<128x256xf32, #tpu.memory_space<vmem>>) target(%dma_start3A_32 : memref<128x256xf32, #tpu.memory_space<hbm>>) target_semaphore(%arg11 : memref<!tpu.dma_semaphore, #tpu.memory_space<semaphore_mem>>)
    %dma_wait3A_33 = arith.constant 0 : i32
    %dma_wait3A_34 = tpu.memref_slice %arg4[%add3A_17, %dma_wait3A_33] : memref<8192x256xf32, #tpu.memory_space<hbm>> -> memref<128x256xf32, #tpu.memory_space<hbm>>
    %dma_wait3A_35 = arith.constant 0 : i32
    %dma_wait3A_36 = tpu.memref_slice %arg4[%add3A_17, %dma_wait3A_35] : memref<8192x256xf32, #tpu.memory_space<hbm>> -> memref<128x256xf32, #tpu.memory_space<hbm>>
    tpu.wait_dma2 semaphore(%arg10 : memref<!tpu.dma_semaphore, #tpu.memory_space<semaphore_mem>>) src(%arg6 : memref<128x256xf32, #tpu.memory_space<vmem>>) dst(%dma_wait3A_36 : memref<128x256xf32, #tpu.memory_space<hbm>>)
    %dma_wait3A_37 = arith.constant 0 : i32
    %dma_wait3A_38 = tpu.memref_slice %arg4[%add3A_28, %dma_wait3A_37] : memref<8192x256xf32, #tpu.memory_space<hbm>> -> memref<128x256xf32, #tpu.memory_space<hbm>>
    %dma_wait3A_39 = arith.constant 0 : i32
    %dma_wait3A_40 = tpu.memref_slice %arg4[%add3A_28, %dma_wait3A_39] : memref<8192x256xf32, #tpu.memory_space<hbm>> -> memref<128x256xf32, #tpu.memory_space<hbm>>
    tpu.wait_dma2 semaphore(%arg11 : memref<!tpu.dma_semaphore, #tpu.memory_space<semaphore_mem>>) src(%arg7 : memref<128x256xf32, #tpu.memory_space<vmem>>) dst(%dma_wait3A_40 : memref<128x256xf32, #tpu.memory_space<hbm>>)
    return
  }
}

module attributes {stable_mosaic.version = 14 : i64} {
  func.func @_table_body(%arg0: memref<1000x512xf32, #tpu.memory_space<vmem>>, %arg1: memref<1000x256xf32, #tpu.memory_space<vmem>>) attributes {dimension_semantics = [], scalar_prefetch = 0 : i64, scratch_operands = 0 : i64, tpu.core_type = #tpu.core_type<tc>} {
    %iota3A = tpu.iota {dimensions = array<i32: 1>} : vector<1000x64xi32>
    %get3A = arith.constant 0 : index
    %get3A_0 = arith.constant 0 : index
    %get3A_1 = vector.load %arg0[%get3A, %get3A_0] : memref<1000x512xf32, #tpu.memory_space<vmem>>, vector<1000x64xf32>
    %reduce_max3A = arith.constant dense<0xFF800000> : vector<1000xf32>
    %reduce_max3A_2 = vector.multi_reduction <maximumf>, %get3A_1, %reduce_max3A [1] : vector<1000x64xf32> to vector<1000xf32>
    %broadcast_in_dim3A = vector.shape_cast %reduce_max3A_2 : vector<1000xf32> to vector<1000x1xf32>
    %sub3A = vector.broadcast %broadcast_in_dim3A : vector<1000x1xf32> to vector<1000x64xf32>
    %sub3A_3 = arith.subf %get3A_1, %sub3A : vector<1000x64xf32>
    %exp3A = math.exp %sub3A_3 : vector<1000x64xf32>
    %reduce_sum3A = arith.constant dense<0.000000e+00> : vector<1000xf32>
    %reduce_sum3A_4 = vector.multi_reduction <add>, %exp3A, %reduce_sum3A [1] : vector<1000x64xf32> to vector<1000xf32>
    %broadcast_in_dim3A_5 = vector.shape_cast %reduce_sum3A_4 : vector<1000xf32> to vector<1000x1xf32>
    %div3A = vector.broadcast %broadcast_in_dim3A_5 : vector<1000x1xf32> to vector<1000x64xf32>
    %div3A_6 = arith.divf %exp3A, %div3A : vector<1000x64xf32>
    %reduce_max3A_7 = arith.constant dense<0xFF800000> : vector<1000xf32>
    %reduce_max3A_8 = vector.multi_reduction <maximumf>, %div3A_6, %reduce_max3A_7 [1] : vector<1000x64xf32> to vector<1000xf32>
    %broadcast_in_dim3A_9 = vector.shape_cast %reduce_max3A_8 : vector<1000xf32> to vector<1000x1xf32>
    %eq3A = vector.broadcast %broadcast_in_dim3A_9 : vector<1000x1xf32> to vector<1000x64xf32>
    %eq3A_10 = arith.cmpf oeq, %div3A_6, %eq3A : vector<1000x64xf32>
    %jit3A = arith.constant 64 : i32
    %broadcast_in_dim3A_11 = vector.broadcast %jit3A : i32 to vector<1000x64xi32>
    %select_n3A = arith.select %eq3A_10, %iota3A, %broadcast_in_dim3A_11 : vector<1000x64xi1>, vector<1000x64xi32>
    %reduce_min3A = arith.constant dense<2147483647> : vector<1000xi32>
    %reduce_min3A_12 = vector.multi_reduction <minsi>, %select_n3A, %reduce_min3A [1] : vector<1000x64xi32> to vector<1000xi32>
    %broadcast_in_dim3A_13 = vector.shape_cast %reduce_min3A_12 : vector<1000xi32> to vector<1000x1xi32>
    %eq3A_14 = vector.broadcast %broadcast_in_dim3A_13 : vector<1000x1xi32> to vector<1000x64xi32>
    %eq3A_15 = arith.cmpi eq, %iota3A, %eq3A_14 : vector<1000x64xi32>
    %jit3A_16 = arith.constant 0xFF800000 : f32
    %broadcast_in_dim3A_17 = vector.broadcast %jit3A_16 : f32 to vector<1000x64xf32>
    %select_n3A_18 = arith.select %eq3A_15, %broadcast_in_dim3A_17, %div3A_6 : vector<1000x64xi1>, vector<1000x64xf32>
    %reduce_max3A_19 = arith.constant dense<0xFF800000> : vector<1000xf32>
    %reduce_max3A_20 = vector.multi_reduction <maximumf>, %select_n3A_18, %reduce_max3A_19 [1] : vector<1000x64xf32> to vector<1000xf32>
    %broadcast_in_dim3A_21 = vector.shape_cast %reduce_max3A_20 : vector<1000xf32> to vector<1000x1xf32>
    %eq3A_22 = vector.broadcast %broadcast_in_dim3A_21 : vector<1000x1xf32> to vector<1000x64xf32>
    %eq3A_23 = arith.cmpf oeq, %select_n3A_18, %eq3A_22 : vector<1000x64xf32>
    %jit3A_24 = arith.constant 64 : i32
    %broadcast_in_dim3A_25 = vector.broadcast %jit3A_24 : i32 to vector<1000x64xi32>
    %select_n3A_26 = arith.select %eq3A_23, %iota3A, %broadcast_in_dim3A_25 : vector<1000x64xi1>, vector<1000x64xi32>
    %reduce_min3A_27 = arith.constant dense<2147483647> : vector<1000xi32>
    %reduce_min3A_28 = vector.multi_reduction <minsi>, %select_n3A_26, %reduce_min3A_27 [1] : vector<1000x64xi32> to vector<1000xi32>
    %broadcast_in_dim3A_29 = vector.shape_cast %reduce_min3A_28 : vector<1000xi32> to vector<1000x1xi32>
    %eq3A_30 = vector.broadcast %broadcast_in_dim3A_29 : vector<1000x1xi32> to vector<1000x64xi32>
    %eq3A_31 = arith.cmpi eq, %iota3A, %eq3A_30 : vector<1000x64xi32>
    %jit3A_32 = arith.constant 0xFF800000 : f32
    %broadcast_in_dim3A_33 = vector.broadcast %jit3A_32 : f32 to vector<1000x64xf32>
    %select_n3A_34 = arith.select %eq3A_31, %broadcast_in_dim3A_33, %select_n3A_18 : vector<1000x64xi1>, vector<1000x64xf32>
    %reduce_max3A_35 = arith.constant dense<0xFF800000> : vector<1000xf32>
    %reduce_max3A_36 = vector.multi_reduction <maximumf>, %select_n3A_34, %reduce_max3A_35 [1] : vector<1000x64xf32> to vector<1000xf32>
    %broadcast_in_dim3A_37 = vector.shape_cast %reduce_max3A_36 : vector<1000xf32> to vector<1000x1xf32>
    %eq3A_38 = vector.broadcast %broadcast_in_dim3A_37 : vector<1000x1xf32> to vector<1000x64xf32>
    %eq3A_39 = arith.cmpf oeq, %select_n3A_34, %eq3A_38 : vector<1000x64xf32>
    %jit3A_40 = arith.constant 64 : i32
    %broadcast_in_dim3A_41 = vector.broadcast %jit3A_40 : i32 to vector<1000x64xi32>
    %select_n3A_42 = arith.select %eq3A_39, %iota3A, %broadcast_in_dim3A_41 : vector<1000x64xi1>, vector<1000x64xi32>
    %reduce_min3A_43 = arith.constant dense<2147483647> : vector<1000xi32>
    %reduce_min3A_44 = vector.multi_reduction <minsi>, %select_n3A_42, %reduce_min3A_43 [1] : vector<1000x64xi32> to vector<1000xi32>
    %broadcast_in_dim3A_45 = vector.shape_cast %reduce_min3A_44 : vector<1000xi32> to vector<1000x1xi32>
    %eq3A_46 = vector.broadcast %broadcast_in_dim3A_45 : vector<1000x1xi32> to vector<1000x64xi32>
    %eq3A_47 = arith.cmpi eq, %iota3A, %eq3A_46 : vector<1000x64xi32>
    %get3A_48 = arith.constant 0 : index
    %get3A_49 = arith.constant 64 : index
    %get3A_50 = vector.load %arg0[%get3A_48, %get3A_49] : memref<1000x512xf32, #tpu.memory_space<vmem>>, vector<1000x64xf32>
    %reduce_max3A_51 = arith.constant dense<0xFF800000> : vector<1000xf32>
    %reduce_max3A_52 = vector.multi_reduction <maximumf>, %get3A_50, %reduce_max3A_51 [1] : vector<1000x64xf32> to vector<1000xf32>
    %broadcast_in_dim3A_53 = vector.shape_cast %reduce_max3A_52 : vector<1000xf32> to vector<1000x1xf32>
    %sub3A_54 = vector.broadcast %broadcast_in_dim3A_53 : vector<1000x1xf32> to vector<1000x64xf32>
    %sub3A_55 = arith.subf %get3A_50, %sub3A_54 : vector<1000x64xf32>
    %exp3A_56 = math.exp %sub3A_55 : vector<1000x64xf32>
    %reduce_sum3A_57 = arith.constant dense<0.000000e+00> : vector<1000xf32>
    %reduce_sum3A_58 = vector.multi_reduction <add>, %exp3A_56, %reduce_sum3A_57 [1] : vector<1000x64xf32> to vector<1000xf32>
    %broadcast_in_dim3A_59 = vector.shape_cast %reduce_sum3A_58 : vector<1000xf32> to vector<1000x1xf32>
    %div3A_60 = vector.broadcast %broadcast_in_dim3A_59 : vector<1000x1xf32> to vector<1000x64xf32>
    %div3A_61 = arith.divf %exp3A_56, %div3A_60 : vector<1000x64xf32>
    %reduce_max3A_62 = arith.constant dense<0xFF800000> : vector<1000xf32>
    %reduce_max3A_63 = vector.multi_reduction <maximumf>, %div3A_61, %reduce_max3A_62 [1] : vector<1000x64xf32> to vector<1000xf32>
    %broadcast_in_dim3A_64 = vector.shape_cast %reduce_max3A_63 : vector<1000xf32> to vector<1000x1xf32>
    %eq3A_65 = vector.broadcast %broadcast_in_dim3A_64 : vector<1000x1xf32> to vector<1000x64xf32>
    %eq3A_66 = arith.cmpf oeq, %div3A_61, %eq3A_65 : vector<1000x64xf32>
    %jit3A_67 = arith.constant 64 : i32
    %broadcast_in_dim3A_68 = vector.broadcast %jit3A_67 : i32 to vector<1000x64xi32>
    %select_n3A_69 = arith.select %eq3A_66, %iota3A, %broadcast_in_dim3A_68 : vector<1000x64xi1>, vector<1000x64xi32>
    %reduce_min3A_70 = arith.constant dense<2147483647> : vector<1000xi32>
    %reduce_min3A_71 = vector.multi_reduction <minsi>, %select_n3A_69, %reduce_min3A_70 [1] : vector<1000x64xi32> to vector<1000xi32>
    %broadcast_in_dim3A_72 = vector.shape_cast %reduce_min3A_71 : vector<1000xi32> to vector<1000x1xi32>
    %eq3A_73 = vector.broadcast %broadcast_in_dim3A_72 : vector<1000x1xi32> to vector<1000x64xi32>
    %eq3A_74 = arith.cmpi eq, %iota3A, %eq3A_73 : vector<1000x64xi32>
    %jit3A_75 = arith.constant 0xFF800000 : f32
    %broadcast_in_dim3A_76 = vector.broadcast %jit3A_75 : f32 to vector<1000x64xf32>
    %select_n3A_77 = arith.select %eq3A_74, %broadcast_in_dim3A_76, %div3A_61 : vector<1000x64xi1>, vector<1000x64xf32>
    %reduce_max3A_78 = arith.constant dense<0xFF800000> : vector<1000xf32>
    %reduce_max3A_79 = vector.multi_reduction <maximumf>, %select_n3A_77, %reduce_max3A_78 [1] : vector<1000x64xf32> to vector<1000xf32>
    %broadcast_in_dim3A_80 = vector.shape_cast %reduce_max3A_79 : vector<1000xf32> to vector<1000x1xf32>
    %eq3A_81 = vector.broadcast %broadcast_in_dim3A_80 : vector<1000x1xf32> to vector<1000x64xf32>
    %eq3A_82 = arith.cmpf oeq, %select_n3A_77, %eq3A_81 : vector<1000x64xf32>
    %jit3A_83 = arith.constant 64 : i32
    %broadcast_in_dim3A_84 = vector.broadcast %jit3A_83 : i32 to vector<1000x64xi32>
    %select_n3A_85 = arith.select %eq3A_82, %iota3A, %broadcast_in_dim3A_84 : vector<1000x64xi1>, vector<1000x64xi32>
    %reduce_min3A_86 = arith.constant dense<2147483647> : vector<1000xi32>
    %reduce_min3A_87 = vector.multi_reduction <minsi>, %select_n3A_85, %reduce_min3A_86 [1] : vector<1000x64xi32> to vector<1000xi32>
    %broadcast_in_dim3A_88 = vector.shape_cast %reduce_min3A_87 : vector<1000xi32> to vector<1000x1xi32>
    %eq3A_89 = vector.broadcast %broadcast_in_dim3A_88 : vector<1000x1xi32> to vector<1000x64xi32>
    %eq3A_90 = arith.cmpi eq, %iota3A, %eq3A_89 : vector<1000x64xi32>
    %jit3A_91 = arith.constant 0xFF800000 : f32
    %broadcast_in_dim3A_92 = vector.broadcast %jit3A_91 : f32 to vector<1000x64xf32>
    %select_n3A_93 = arith.select %eq3A_90, %broadcast_in_dim3A_92, %select_n3A_77 : vector<1000x64xi1>, vector<1000x64xf32>
    %reduce_max3A_94 = arith.constant dense<0xFF800000> : vector<1000xf32>
    %reduce_max3A_95 = vector.multi_reduction <maximumf>, %select_n3A_93, %reduce_max3A_94 [1] : vector<1000x64xf32> to vector<1000xf32>
    %broadcast_in_dim3A_96 = vector.shape_cast %reduce_max3A_95 : vector<1000xf32> to vector<1000x1xf32>
    %eq3A_97 = vector.broadcast %broadcast_in_dim3A_96 : vector<1000x1xf32> to vector<1000x64xf32>
    %eq3A_98 = arith.cmpf oeq, %select_n3A_93, %eq3A_97 : vector<1000x64xf32>
    %jit3A_99 = arith.constant 64 : i32
    %broadcast_in_dim3A_100 = vector.broadcast %jit3A_99 : i32 to vector<1000x64xi32>
    %select_n3A_101 = arith.select %eq3A_98, %iota3A, %broadcast_in_dim3A_100 : vector<1000x64xi1>, vector<1000x64xi32>
    %reduce_min3A_102 = arith.constant dense<2147483647> : vector<1000xi32>
    %reduce_min3A_103 = vector.multi_reduction <minsi>, %select_n3A_101, %reduce_min3A_102 [1] : vector<1000x64xi32> to vector<1000xi32>
    %broadcast_in_dim3A_104 = vector.shape_cast %reduce_min3A_103 : vector<1000xi32> to vector<1000x1xi32>
    %eq3A_105 = vector.broadcast %broadcast_in_dim3A_104 : vector<1000x1xi32> to vector<1000x64xi32>
    %eq3A_106 = arith.cmpi eq, %iota3A, %eq3A_105 : vector<1000x64xi32>
    %get3A_107 = arith.constant 0 : index
    %get3A_108 = arith.constant 128 : index
    %get3A_109 = vector.load %arg0[%get3A_107, %get3A_108] : memref<1000x512xf32, #tpu.memory_space<vmem>>, vector<1000x64xf32>
    %reduce_max3A_110 = arith.constant dense<0xFF800000> : vector<1000xf32>
    %reduce_max3A_111 = vector.multi_reduction <maximumf>, %get3A_109, %reduce_max3A_110 [1] : vector<1000x64xf32> to vector<1000xf32>
    %broadcast_in_dim3A_112 = vector.shape_cast %reduce_max3A_111 : vector<1000xf32> to vector<1000x1xf32>
    %sub3A_113 = vector.broadcast %broadcast_in_dim3A_112 : vector<1000x1xf32> to vector<1000x64xf32>
    %sub3A_114 = arith.subf %get3A_109, %sub3A_113 : vector<1000x64xf32>
    %exp3A_115 = math.exp %sub3A_114 : vector<1000x64xf32>
    %reduce_sum3A_116 = arith.constant dense<0.000000e+00> : vector<1000xf32>
    %reduce_sum3A_117 = vector.multi_reduction <add>, %exp3A_115, %reduce_sum3A_116 [1] : vector<1000x64xf32> to vector<1000xf32>
    %broadcast_in_dim3A_118 = vector.shape_cast %reduce_sum3A_117 : vector<1000xf32> to vector<1000x1xf32>
    %div3A_119 = vector.broadcast %broadcast_in_dim3A_118 : vector<1000x1xf32> to vector<1000x64xf32>
    %div3A_120 = arith.divf %exp3A_115, %div3A_119 : vector<1000x64xf32>
    %reduce_max3A_121 = arith.constant dense<0xFF800000> : vector<1000xf32>
    %reduce_max3A_122 = vector.multi_reduction <maximumf>, %div3A_120, %reduce_max3A_121 [1] : vector<1000x64xf32> to vector<1000xf32>
    %broadcast_in_dim3A_123 = vector.shape_cast %reduce_max3A_122 : vector<1000xf32> to vector<1000x1xf32>
    %eq3A_124 = vector.broadcast %broadcast_in_dim3A_123 : vector<1000x1xf32> to vector<1000x64xf32>
    %eq3A_125 = arith.cmpf oeq, %div3A_120, %eq3A_124 : vector<1000x64xf32>
    %jit3A_126 = arith.constant 64 : i32
    %broadcast_in_dim3A_127 = vector.broadcast %jit3A_126 : i32 to vector<1000x64xi32>
    %select_n3A_128 = arith.select %eq3A_125, %iota3A, %broadcast_in_dim3A_127 : vector<1000x64xi1>, vector<1000x64xi32>
    %reduce_min3A_129 = arith.constant dense<2147483647> : vector<1000xi32>
    %reduce_min3A_130 = vector.multi_reduction <minsi>, %select_n3A_128, %reduce_min3A_129 [1] : vector<1000x64xi32> to vector<1000xi32>
    %broadcast_in_dim3A_131 = vector.shape_cast %reduce_min3A_130 : vector<1000xi32> to vector<1000x1xi32>
    %eq3A_132 = vector.broadcast %broadcast_in_dim3A_131 : vector<1000x1xi32> to vector<1000x64xi32>
    %eq3A_133 = arith.cmpi eq, %iota3A, %eq3A_132 : vector<1000x64xi32>
    %jit3A_134 = arith.constant 0xFF800000 : f32
    %broadcast_in_dim3A_135 = vector.broadcast %jit3A_134 : f32 to vector<1000x64xf32>
    %select_n3A_136 = arith.select %eq3A_133, %broadcast_in_dim3A_135, %div3A_120 : vector<1000x64xi1>, vector<1000x64xf32>
    %reduce_max3A_137 = arith.constant dense<0xFF800000> : vector<1000xf32>
    %reduce_max3A_138 = vector.multi_reduction <maximumf>, %select_n3A_136, %reduce_max3A_137 [1] : vector<1000x64xf32> to vector<1000xf32>
    %broadcast_in_dim3A_139 = vector.shape_cast %reduce_max3A_138 : vector<1000xf32> to vector<1000x1xf32>
    %eq3A_140 = vector.broadcast %broadcast_in_dim3A_139 : vector<1000x1xf32> to vector<1000x64xf32>
    %eq3A_141 = arith.cmpf oeq, %select_n3A_136, %eq3A_140 : vector<1000x64xf32>
    %jit3A_142 = arith.constant 64 : i32
    %broadcast_in_dim3A_143 = vector.broadcast %jit3A_142 : i32 to vector<1000x64xi32>
    %select_n3A_144 = arith.select %eq3A_141, %iota3A, %broadcast_in_dim3A_143 : vector<1000x64xi1>, vector<1000x64xi32>
    %reduce_min3A_145 = arith.constant dense<2147483647> : vector<1000xi32>
    %reduce_min3A_146 = vector.multi_reduction <minsi>, %select_n3A_144, %reduce_min3A_145 [1] : vector<1000x64xi32> to vector<1000xi32>
    %broadcast_in_dim3A_147 = vector.shape_cast %reduce_min3A_146 : vector<1000xi32> to vector<1000x1xi32>
    %eq3A_148 = vector.broadcast %broadcast_in_dim3A_147 : vector<1000x1xi32> to vector<1000x64xi32>
    %eq3A_149 = arith.cmpi eq, %iota3A, %eq3A_148 : vector<1000x64xi32>
    %jit3A_150 = arith.constant 0xFF800000 : f32
    %broadcast_in_dim3A_151 = vector.broadcast %jit3A_150 : f32 to vector<1000x64xf32>
    %select_n3A_152 = arith.select %eq3A_149, %broadcast_in_dim3A_151, %select_n3A_136 : vector<1000x64xi1>, vector<1000x64xf32>
    %reduce_max3A_153 = arith.constant dense<0xFF800000> : vector<1000xf32>
    %reduce_max3A_154 = vector.multi_reduction <maximumf>, %select_n3A_152, %reduce_max3A_153 [1] : vector<1000x64xf32> to vector<1000xf32>
    %broadcast_in_dim3A_155 = vector.shape_cast %reduce_max3A_154 : vector<1000xf32> to vector<1000x1xf32>
    %eq3A_156 = vector.broadcast %broadcast_in_dim3A_155 : vector<1000x1xf32> to vector<1000x64xf32>
    %eq3A_157 = arith.cmpf oeq, %select_n3A_152, %eq3A_156 : vector<1000x64xf32>
    %jit3A_158 = arith.constant 64 : i32
    %broadcast_in_dim3A_159 = vector.broadcast %jit3A_158 : i32 to vector<1000x64xi32>
    %select_n3A_160 = arith.select %eq3A_157, %iota3A, %broadcast_in_dim3A_159 : vector<1000x64xi1>, vector<1000x64xi32>
    %reduce_min3A_161 = arith.constant dense<2147483647> : vector<1000xi32>
    %reduce_min3A_162 = vector.multi_reduction <minsi>, %select_n3A_160, %reduce_min3A_161 [1] : vector<1000x64xi32> to vector<1000xi32>
    %broadcast_in_dim3A_163 = vector.shape_cast %reduce_min3A_162 : vector<1000xi32> to vector<1000x1xi32>
    %eq3A_164 = vector.broadcast %broadcast_in_dim3A_163 : vector<1000x1xi32> to vector<1000x64xi32>
    %eq3A_165 = arith.cmpi eq, %iota3A, %eq3A_164 : vector<1000x64xi32>
    %broadcast_in_dim3A_166 = arith.constant 0.000000e+00 : f32
    %broadcast_in_dim3A_167 = vector.broadcast %broadcast_in_dim3A_166 : f32 to vector<1000x64xf32>
    %add3A = arith.addf %broadcast_in_dim3A_9, %broadcast_in_dim3A_64 : vector<1000x1xf32>
    %add3A_168 = arith.addf %add3A, %broadcast_in_dim3A_123 : vector<1000x1xf32>
    %div3A_169 = arith.divf %broadcast_in_dim3A_9, %add3A_168 : vector<1000x1xf32>
    %jit3A_170 = arith.constant 0.000000e+00 : f32
    %broadcast_in_dim3A_171 = vector.shape_cast %div3A_169 : vector<1000x1xf32> to vector<1000x1xf32>
    %broadcast_in_dim3A_172 = vector.broadcast %broadcast_in_dim3A_171 : vector<1000x1xf32> to vector<1000x64xf32>
    %broadcast_in_dim3A_173 = vector.broadcast %jit3A_170 : f32 to vector<1000x64xf32>
    %select_n3A_174 = arith.select %eq3A_15, %broadcast_in_dim3A_172, %broadcast_in_dim3A_173 : vector<1000x64xi1>, vector<1000x64xf32>
    %add3A_175 = arith.addf %broadcast_in_dim3A_167, %select_n3A_174 : vector<1000x64xf32>
    %add3A_176 = arith.addf %broadcast_in_dim3A_21, %broadcast_in_dim3A_80 : vector<1000x1xf32>
    %add3A_177 = arith.addf %add3A_176, %broadcast_in_dim3A_139 : vector<1000x1xf32>
    %div3A_178 = arith.divf %broadcast_in_dim3A_21, %add3A_177 : vector<1000x1xf32>
    %jit3A_179 = arith.constant 0.000000e+00 : f32
    %broadcast_in_dim3A_180 = vector.shape_cast %div3A_178 : vector<1000x1xf32> to vector<1000x1xf32>
    %broadcast_in_dim3A_181 = vector.broadcast %broadcast_in_dim3A_180 : vector<1000x1xf32> to vector<1000x64xf32>
    %broadcast_in_dim3A_182 = vector.broadcast %jit3A_179 : f32 to vector<1000x64xf32>
    %select_n3A_183 = arith.select %eq3A_31, %broadcast_in_dim3A_181, %broadcast_in_dim3A_182 : vector<1000x64xi1>, vector<1000x64xf32>
    %add3A_184 = arith.addf %add3A_175, %select_n3A_183 : vector<1000x64xf32>
    %add3A_185 = arith.addf %broadcast_in_dim3A_37, %broadcast_in_dim3A_96 : vector<1000x1xf32>
    %add3A_186 = arith.addf %add3A_185, %broadcast_in_dim3A_155 : vector<1000x1xf32>
    %div3A_187 = arith.divf %broadcast_in_dim3A_37, %add3A_186 : vector<1000x1xf32>
    %jit3A_188 = arith.constant 0.000000e+00 : f32
    %broadcast_in_dim3A_189 = vector.shape_cast %div3A_187 : vector<1000x1xf32> to vector<1000x1xf32>
    %broadcast_in_dim3A_190 = vector.broadcast %broadcast_in_dim3A_189 : vector<1000x1xf32> to vector<1000x64xf32>
    %broadcast_in_dim3A_191 = vector.broadcast %jit3A_188 : f32 to vector<1000x64xf32>
    %select_n3A_192 = arith.select %eq3A_47, %broadcast_in_dim3A_190, %broadcast_in_dim3A_191 : vector<1000x64xi1>, vector<1000x64xf32>
    %add3A_193 = arith.addf %add3A_184, %select_n3A_192 : vector<1000x64xf32>
    %broadcast_in_dim3A_194 = arith.constant 0.000000e+00 : f32
    %broadcast_in_dim3A_195 = vector.broadcast %broadcast_in_dim3A_194 : f32 to vector<1000x64xf32>
    %add3A_196 = arith.addf %broadcast_in_dim3A_9, %broadcast_in_dim3A_64 : vector<1000x1xf32>
    %add3A_197 = arith.addf %add3A_196, %broadcast_in_dim3A_123 : vector<1000x1xf32>
    %div3A_198 = arith.divf %broadcast_in_dim3A_64, %add3A_197 : vector<1000x1xf32>
    %jit3A_199 = arith.constant 0.000000e+00 : f32
    %broadcast_in_dim3A_200 = vector.shape_cast %div3A_198 : vector<1000x1xf32> to vector<1000x1xf32>
    %broadcast_in_dim3A_201 = vector.broadcast %broadcast_in_dim3A_200 : vector<1000x1xf32> to vector<1000x64xf32>
    %broadcast_in_dim3A_202 = vector.broadcast %jit3A_199 : f32 to vector<1000x64xf32>
    %select_n3A_203 = arith.select %eq3A_74, %broadcast_in_dim3A_201, %broadcast_in_dim3A_202 : vector<1000x64xi1>, vector<1000x64xf32>
    %add3A_204 = arith.addf %broadcast_in_dim3A_195, %select_n3A_203 : vector<1000x64xf32>
    %add3A_205 = arith.addf %broadcast_in_dim3A_21, %broadcast_in_dim3A_80 : vector<1000x1xf32>
    %add3A_206 = arith.addf %add3A_205, %broadcast_in_dim3A_139 : vector<1000x1xf32>
    %div3A_207 = arith.divf %broadcast_in_dim3A_80, %add3A_206 : vector<1000x1xf32>
    %jit3A_208 = arith.constant 0.000000e+00 : f32
    %broadcast_in_dim3A_209 = vector.shape_cast %div3A_207 : vector<1000x1xf32> to vector<1000x1xf32>
    %broadcast_in_dim3A_210 = vector.broadcast %broadcast_in_dim3A_209 : vector<1000x1xf32> to vector<1000x64xf32>
    %broadcast_in_dim3A_211 = vector.broadcast %jit3A_208 : f32 to vector<1000x64xf32>
    %select_n3A_212 = arith.select %eq3A_90, %broadcast_in_dim3A_210, %broadcast_in_dim3A_211 : vector<1000x64xi1>, vector<1000x64xf32>
    %add3A_213 = arith.addf %add3A_204, %select_n3A_212 : vector<1000x64xf32>
    %add3A_214 = arith.addf %broadcast_in_dim3A_37, %broadcast_in_dim3A_96 : vector<1000x1xf32>
    %add3A_215 = arith.addf %add3A_214, %broadcast_in_dim3A_155 : vector<1000x1xf32>
    %div3A_216 = arith.divf %broadcast_in_dim3A_96, %add3A_215 : vector<1000x1xf32>
    %jit3A_217 = arith.constant 0.000000e+00 : f32
    %broadcast_in_dim3A_218 = vector.shape_cast %div3A_216 : vector<1000x1xf32> to vector<1000x1xf32>
    %broadcast_in_dim3A_219 = vector.broadcast %broadcast_in_dim3A_218 : vector<1000x1xf32> to vector<1000x64xf32>
    %broadcast_in_dim3A_220 = vector.broadcast %jit3A_217 : f32 to vector<1000x64xf32>
    %select_n3A_221 = arith.select %eq3A_106, %broadcast_in_dim3A_219, %broadcast_in_dim3A_220 : vector<1000x64xi1>, vector<1000x64xf32>
    %add3A_222 = arith.addf %add3A_213, %select_n3A_221 : vector<1000x64xf32>
    %broadcast_in_dim3A_223 = arith.constant 0.000000e+00 : f32
    %broadcast_in_dim3A_224 = vector.broadcast %broadcast_in_dim3A_223 : f32 to vector<1000x64xf32>
    %add3A_225 = arith.addf %broadcast_in_dim3A_9, %broadcast_in_dim3A_64 : vector<1000x1xf32>
    %add3A_226 = arith.addf %add3A_225, %broadcast_in_dim3A_123 : vector<1000x1xf32>
    %div3A_227 = arith.divf %broadcast_in_dim3A_123, %add3A_226 : vector<1000x1xf32>
    %jit3A_228 = arith.constant 0.000000e+00 : f32
    %broadcast_in_dim3A_229 = vector.shape_cast %div3A_227 : vector<1000x1xf32> to vector<1000x1xf32>
    %broadcast_in_dim3A_230 = vector.broadcast %broadcast_in_dim3A_229 : vector<1000x1xf32> to vector<1000x64xf32>
    %broadcast_in_dim3A_231 = vector.broadcast %jit3A_228 : f32 to vector<1000x64xf32>
    %select_n3A_232 = arith.select %eq3A_133, %broadcast_in_dim3A_230, %broadcast_in_dim3A_231 : vector<1000x64xi1>, vector<1000x64xf32>
    %add3A_233 = arith.addf %broadcast_in_dim3A_224, %select_n3A_232 : vector<1000x64xf32>
    %add3A_234 = arith.addf %broadcast_in_dim3A_21, %broadcast_in_dim3A_80 : vector<1000x1xf32>
    %add3A_235 = arith.addf %add3A_234, %broadcast_in_dim3A_139 : vector<1000x1xf32>
    %div3A_236 = arith.divf %broadcast_in_dim3A_139, %add3A_235 : vector<1000x1xf32>
    %jit3A_237 = arith.constant 0.000000e+00 : f32
    %broadcast_in_dim3A_238 = vector.shape_cast %div3A_236 : vector<1000x1xf32> to vector<1000x1xf32>
    %broadcast_in_dim3A_239 = vector.broadcast %broadcast_in_dim3A_238 : vector<1000x1xf32> to vector<1000x64xf32>
    %broadcast_in_dim3A_240 = vector.broadcast %jit3A_237 : f32 to vector<1000x64xf32>
    %select_n3A_241 = arith.select %eq3A_149, %broadcast_in_dim3A_239, %broadcast_in_dim3A_240 : vector<1000x64xi1>, vector<1000x64xf32>
    %add3A_242 = arith.addf %add3A_233, %select_n3A_241 : vector<1000x64xf32>
    %add3A_243 = arith.addf %broadcast_in_dim3A_37, %broadcast_in_dim3A_96 : vector<1000x1xf32>
    %add3A_244 = arith.addf %add3A_243, %broadcast_in_dim3A_155 : vector<1000x1xf32>
    %div3A_245 = arith.divf %broadcast_in_dim3A_155, %add3A_244 : vector<1000x1xf32>
    %jit3A_246 = arith.constant 0.000000e+00 : f32
    %broadcast_in_dim3A_247 = vector.shape_cast %div3A_245 : vector<1000x1xf32> to vector<1000x1xf32>
    %broadcast_in_dim3A_248 = vector.broadcast %broadcast_in_dim3A_247 : vector<1000x1xf32> to vector<1000x64xf32>
    %broadcast_in_dim3A_249 = vector.broadcast %jit3A_246 : f32 to vector<1000x64xf32>
    %select_n3A_250 = arith.select %eq3A_165, %broadcast_in_dim3A_248, %broadcast_in_dim3A_249 : vector<1000x64xi1>, vector<1000x64xf32>
    %add3A_251 = arith.addf %add3A_242, %select_n3A_250 : vector<1000x64xf32>
    %broadcast_in_dim3A_252 = arith.constant 0.000000e+00 : f32
    %broadcast_in_dim3A_253 = vector.broadcast %broadcast_in_dim3A_252 : f32 to vector<1000x64xf32>
    %concatenate3A = tpu.concatenate %add3A_193, %add3A_222, %add3A_251, %broadcast_in_dim3A_253 in 1 : vector<1000x64xf32>, vector<1000x64xf32>, vector<1000x64xf32>, vector<1000x64xf32> -> vector<1000x256xf32>
    %swap3A = arith.constant 0 : index
    %swap3A_254 = arith.constant 0 : index
    %swap3A_255 = vector.load %arg1[%swap3A, %swap3A_254] : memref<1000x256xf32, #tpu.memory_space<vmem>>, vector<1000x256xf32>
    tpu.vector_store %arg1[%swap3A, %swap3A_254], %concatenate3A {strides = array<i32>} : memref<1000x256xf32, #tpu.memory_space<vmem>>, vector<1000x256xf32>,
    return
  }
}

</mosaic_0001>

<sc_bundles>
// kernel: kernel.5.cloned.1.call-start
scs
__scs_entry_jumppad:
0x0: {  	(pc) =	sbr.rel $0x88, $3  }
0x1: {  	(tag) =	ssettag $0x0;
	lr =	simm.s32 $0x1  }
0x2: {  	[smem:$0x3F9F] =	sst lr;
	_ =	strace $0xD0000000  }
0x3: {  	_ = 	snop  }
0x4: {  	_ = 	snop  }
0x5: {  	_ = 	snop  }
0x6: {  	_ = 	snop  }
0x7: {  	_ = 	snop  }
__scs_overlays_trampoline_lowered:
0x8: {  	[smem:$0x3FAE] =	sst s0  }
0x9: {  	[smem:$0x3FAF] =	sst s1  }
0xa: {  	[smem:$0x3FB0] =	sst s2  }
0xb: {  	[smem:$0x3FB1] =	sst s3  }
0xc: {  	[smem:$0x3FB2] =	sst s4  }
0xd: {  	[smem:$0x3FB3] =	sst s5  }
0xe: {  	[smem:$0x3FB4] =	sst s6  }
0xf: {  	[smem:$0x3FB5] =	sst s7  }
0x10: {  	[smem:$0x3FB6] =	sst s8  }
0x11: {  	[smem:$0x3FB7] =	sst s9;
	s0 =	simm.s32 @!p0 $0x0  }
0x12: {  	s1 =	sld [smem:$0x3F9D];
	s0 =	simm.s32 @p0 $0x1  }
0x13: {  	[smem:$0x3FB8] =	sst s0;
	s0 =	simm.s32 @!p1 $0x0  }
0x14: {  	s2 =	sld [smem:$0x3F9C];
	s0 =	simm.s32 @p1 $0x1  }
0x15: {  	[smem:$0x3FB9] =	sst s0;
	s0 =	simm.s32 @!p2 $0x0  }
0x16: {  	s3 =	sld [smem:$0x3FDB];
	s0 =	simm.s32 @p2 $0x1  }
0x17: {  	s4 =	simm.s32 $0x1BF5;
	[smem:$0x3FBB] =	sst s0  }
0x18: {  	s0 =	sld [smem:$0x3F9E];
	_ =	swait.ge [sflag:s4], $0x0  }
0x19: {  	s7 =	sld [smem:$0x3F9F]  }
0x1a: {  	s8 =	sadd.s32 $0xFFFFE003, lr  }
0x1b: {  	s9 =	sadd.s32 $0xFFFFFEF7, lr;
	s5 =	simm.s32 $0xFFFFFFFF;
	p2 =	slt.u32 s8, $0xFFFFF086  }
0x1c: {  	p1 =	slt.u32 s9, $0xF7A;
	s5 =	simm.s32 @!p2 $0x0  }
0x1d: {  	s5 =	simm.s32 @p1 $0x1;
	p0 =	seq.s32 s7, s2  }
0x1e: {  	s7 =	smul.u32 @!p0 $0xF7A, s2;
	p2 =	seq.s32 @!p0 s5, $0x0  }
0x1f: {  	s9 =	smul.u32 $0xF7A, s1;
	s8 =	simm.s32 @!p0 $0x1BF5;
	p2 =	por !p2, p0  }
0x20: {  	[sflag:s8] =	ssyncset.s32 @!p0 $0xFFFFF086;
	s6 =	sadd.s32 @!p0 s3, s7;
	s7 =	simm.s32 @!p0 $0x108  }
0x21: {  	s3 =	sadd.s32 s3, s9;
	s6 =	sadd.s32 @!p0 $0x88, s6;
	s7 =	simm.s32 @p2 $0x1082  }
0x22: {  	[simem:s7], [sflag:s8] =	dma.local @!p0 [hbm:s6], $0xF7A  }
0x23: {  	s9 =	sor.u32 $0xD0000000, s2;
	s6 =	simm.s32 $0x108;
	_ =	swait.ge @!p0 [sflag:s8], $0x0  }
0x24: {  	s3 =	sadd.s32 $0x88, s3;
	s6 =	simm.s32 @!p1 $0x1082;
	[sflag:s4] =	ssyncset.s32 $0xFFFFF086  }
0x25: {  	[simem:s6], [sflag:s4] =	dma.local [hbm:s3], $0xF7A  }
0x26: {  	[smem:$0x3F9F] =	sst s1;
	(tag) =	ssettag s2;
	_ =	strace s9  }
0x27: {  	s1 =	sld [smem:$0x3FAF]  }
0x28: {  	s2 =	sld [smem:$0x3FB0]  }
0x29: {  	s4 =	sld [smem:$0x3FB2]  }
0x2a: {  	p0 =	seq.s32 s5, $0x0;
	s5 =	sld [smem:$0x3FB3]  }
0x2b: {  	s6 =	sld [smem:$0x3FB4]  }
0x2c: {  	s7 =	sld [smem:$0x3FB5]  }
0x2d: {  	s3 =	simm.s32 $0x108;
	s8 =	sld [smem:$0x3FB6]  }
0x2e: {  	s3 =	simm.s32 @!p0 $0x1082;
	s9 =	sld [smem:$0x3FB7]  }
0x2f: {  	lr =	sadd.s32 s0, s3;
	s0 =	sld [smem:$0x3FAE]  }
0x30: {  	s3 =	sld [smem:$0x3FB1]  }
0x31: {  	[smem:$0x3FBA] =	sst s10  }
0x32: {  	s10 =	sld [smem:$0x3FB8];
	_ =	sdelay $0x3  }
0x33: {  	p0 =	seq.s32 s10, $0x1;
	s10 =	sld [smem:$0x3FBA];
	_ =	sdelay $0x3  }
0x34: {  	[smem:$0x3FBA] =	sst s10  }
0x35: {  	s10 =	sld [smem:$0x3FB9];
	_ =	sdelay $0x3  }
0x36: {  	p1 =	seq.s32 s10, $0x1;
	s10 =	sld [smem:$0x3FBA];
	_ =	sdelay $0x3  }
0x37: {  	[smem:$0x3FBA] =	sst s10  }
0x38: {  	s10 =	sld [smem:$0x3FBB]  }
0x39: {  	_ = 	snop;
	(pc) =	sbr.ind lr, $3  }
0x3a: {  	_ = 	snop  }
0x3b: {  	_ = 	snop  }
0x3c: {  	p2 =	seq.s32 s10, $0x1;
	s10 =	sld [smem:$0x3FBA]  }
0x3d: {  	_ =	shalt  }
0x3e: {  	_ =	shalt  }
0x3f: {  	_ =	shalt  }
0x40: {  	_ =	shalt  }
0x41: {  	_ =	shalt  }
0x42: {  	_ =	shalt  }
0x43: {  	_ =	shalt  }
0x44: {  	_ =	shalt  }
0x45: {  	_ =	shalt  }
0x46: {  	_ =	shalt  }
0x47: {  	_ =	shalt  }
0x48: {  	_ =	shalt  }
0x49: {  	_ =	shalt  }
0x4a: {  	_ =	shalt  }
0x4b: {  	_ =	shalt  }
0x4c: {  	_ =	shalt  }
0x4d: {  	_ =	shalt  }
0x4e: {  	_ =	shalt  }
0x4f: {  	_ =	shalt  }
0x50: {  	_ =	shalt  }
0x51: {  	_ =	shalt  }
0x52: {  	_ =	shalt  }
0x53: {  	_ =	shalt  }
0x54: {  	_ =	shalt  }
0x55: {  	_ =	shalt  }
0x56: {  	_ =	shalt  }
0x57: {  	_ =	shalt  }
0x58: {  	_ =	shalt  }
0x59: {  	_ =	shalt  }
0x5a: {  	_ =	shalt  }
0x5b: {  	_ =	shalt  }
0x5c: {  	_ =	shalt  }
0x5d: {  	_ =	shalt  }
0x5e: {  	_ =	shalt  }
0x5f: {  	_ =	shalt  }
0x60: {  	_ =	shalt  }
0x61: {  	_ =	shalt  }
0x62: {  	_ =	shalt  }
0x63: {  	_ =	shalt  }
0x64: {  	_ =	shalt  }
0x65: {  	_ =	shalt  }
0x66: {  	_ =	shalt  }
0x67: {  	_ =	shalt  }
0x68: {  	_ =	shalt  }
0x69: {  	_ =	shalt  }
0x6a: {  	_ =	shalt  }
0x6b: {  	_ =	shalt  }
0x6c: {  	_ =	shalt  }
0x6d: {  	_ =	shalt  }
0x6e: {  	_ =	shalt  }
0x6f: {  	_ =	shalt  }
0x70: {  	_ =	shalt  }
0x71: {  	_ =	shalt  }
0x72: {  	_ =	shalt  }
0x73: {  	_ =	shalt  }
0x74: {  	_ =	shalt  }
0x75: {  	_ =	shalt  }
0x76: {  	_ =	shalt  }
0x77: {  	_ =	shalt  }
0x78: {  	_ =	shalt  }
0x79: {  	_ =	shalt  }
0x7a: {  	_ =	shalt  }
0x7b: {  	_ =	shalt  }
0x7c: {  	_ =	shalt  }
0x7d: {  	_ =	shalt  }
0x7e: {  	_ =	shalt  }
0x7f: {  	_ =	shalt  }
0x80: {  	_ =	shalt  }
0x81: {  	_ =	shalt  }
0x82: {  	_ =	shalt  }
0x83: {  	_ =	shalt  }
0x84: {  	_ =	shalt  }
0x85: {  	_ =	shalt  }
0x86: {  	_ =	shalt  }
0x87: {  	_ =	shalt  }
.Lfunc_end0:
.L_simem_size_0:
called_computation_lowered:
.L_overlay_start_0:
0x88: {  	s2 =	sld [smem:$0x3FD9]  }
0x89: {  	s3 =	sld [smem:$0x3FFE];
	_ =	sdelay $0x1  }
0x8a: {  	s1 =	srdreg.scid  }
0x8b: {  	s0 =	sand.u32 $0x1, s1  }
0x8c: {  	s17 =	sshll.u32 s0, $0xA;
	s2 =	sadd.s32 s3, s2  }
0x8d: {  	s2 =	sadd.s32 s2, s17  }
0x8e: {  	[smem:$0x3FC6] =	sst s2  }
0x8f: {  	_ = 	snop  }
0x90: {  	s18 =	sld [smem:$0x3FD0];
	(tm) =	ssettm $0x1  }
0x91: {  	s19 =	sld [smem:$0x3FFB];
	_ =	sdelay $0x3  }
0x92: {  	_ =	strace s19  }
0x93: {  	s2 =	sld [smem:$0x3FFC];
	_ =	sdelay $0x3  }
0x94: {  	_ =	strace s2  }
0x95: {  	s2 =	sld [smem:$0x3FFD];
	_ =	sdelay $0x3  }
0x96: {  	_ =	strace s2  }
0x97: {  	_ =	strace $0x8FFFFFFF  }
0x98: {  	s20 =	sld [smem:$0x3FDB];
	_ =	sdelay $0x1  }
0x99: {  	s4 =	simm.s32 $_scs_section_size  }
0x9a: {  	s5 =	simm.s32 $_size__tile_overlayer_lowered;
	s6 =	simm.s32 $_tile_overlayer_lowered  }
0x9b: {  	s7 =	simm.s32 $0x1BFF;
	s21 =	sshll.u32 s6, $0x1;
	s4 =	sadd.s32 s4, s20  }
0x9c: {  	s22 =	simm.s32 $0x0;
	s5 =	sshll.u32 s5, $0x1;
	s6 =	sadd.s32 s21, s4  }
0x9d: {  	[timem:s22], [sflag:s7] =	dma.local [hbm:s6], s5  }
0x9e: {  	_ =	swait.ge [sflag:s7], s5  }
0x9f: {  	s5 =	ssub.s32 $0x0, s5;
	[sflag:s7] =	ssyncset.done $0x0  }
0xa0: {  	[sflag:s7] =	ssyncadd.s32 s5;
	_ =	sdelay $0x1  }
0xa1: {  	s23 =	simm.s32 $0x1B8B  }
0xa2: {  	_ =	swait.ge [sflag:s23], $0x1  }
0xa3: {  	[sflag:s23] =	ssyncset.done $0x0  }
0xa4: {  	[sflag:s23] =	ssyncadd.s32 $0xFFFFFFFF  }
0xa5: {  	s5 =	sld [smem:$0x0]  }
0xa6: {  	s6 =	sand.u32 $0xFFFFFFFE, s1  }
0xa7: {  	p0 =	sne.s32 s1, s6  }
0xa8: {  	s6 =	sshll.u32 @p0 s6, $0xE  }
0xa9: {  	s6 =	sadd.s32 @p0 $0x11B8D, s6;
	s7 =	sshll.u32 @p0 s5, $0x11  }
0xaa: {  	s6 =	sor.u32 @p0 s7, s6  }
0xab: {  	[sflag:s6] =	ssyncadd.remote.s32 @p0 $0x1;
	_ =	sdelay $0x1  }
0xac: {  	s6 =	simm.s32 @p0 $0x1B8D  }
0xad: {  	_ =	swait.eq @p0 [sflag:s6], $0x1  }
0xae: {  	[sflag:s6] =	ssyncadd.s32 @p0 $0xFFFFFFFF  }
0xaf: {  	s7 =	sshll.u32 @!p0 s1, $0xE  }
0xb0: {  	s7 =	sor.u32 @!p0 $0x4000, s7;
	s6 =	simm.s32 @!p0 $0x1B8D  }
0xb1: {  	s5 =	sshll.u32 @!p0 s5, $0x11;
	s7 =	sadd.s32 @!p0 $0x11B8D, s7;
	_ =	swait.eq @!p0 [sflag:s6], $0x1  }
0xb2: {  	s5 =	sor.u32 @!p0 s5, s7;
	[sflag:s6] =	ssyncadd.s32 @!p0 $0xFFFFFFFF  }
0xb3: {  	s25 =	simm.s32 $0x1B8E;
	s24 =	sld [smem:$0x3FFE];
	[sflag:s5] =	ssyncadd.remote.s32 @!p0 $0x1  }
0xb4: {  	s26 =	simm.s32 $execute0_lowered;
	[smem:$0x3FD2] =	sst s25  }
0xb5: {  	s6 =	sshll.u32 s26, $0x1;
	_ =	strace $0x80000049;
	[dreg:$0x1] =	wrdreg $0xFFFFFFFF  }
0xb6: {  	s28 =	simm.s32 $_size_execute0_lowered;
	s4 =	sadd.s32 s4, s6;
	[dreg:$0x0] =	wrdreg $0x0  }
0xb7: {  	s6 =	sshll.u32 s28, $0x1;
	[dreg:$0x2] =	wrdreg s4  }
0xb8: {  	[dreg:$0x3] =	wrdreg s6  }
0xb9: {  	[dreg:$0x4] =	wrdreg $0xC0  }
0xba: {  	_ =	task [dreg:s22], $0x5FFFF  }
0xbb: {  	[dreg:$0x1] =	wrdreg $0xFFFFFFFF  }
0xbc: {  	[dreg:$0x0] =	wrdreg $0x60  }
0xbd: {  	[dreg:$0x2] =	wrdreg s24  }
0xbe: {  	[dreg:$0x3] =	wrdreg s18  }
0xbf: {  	[dreg:$0x4] =	wrdreg $0x9  }
0xc0: {  	_ =	task.clear_ibuf [dreg:s22], $0x5FFFF;
	_ =	strace $0x90000049  }
0xc1: {  	s29 =	simm.s32 $0x9;
	_ =	strace $0x8000004B  }
0xc2: {  	_ =	swait.ge [sflag:s29], $0x1  }
0xc3: {  	[sflag:s29] =	ssyncadd.s32 $0xFFFFFFFF  }
0xc4: {  	_ =	strace $0x9000004B  }
0xc5: {  	_ =	sfence  }
0xc6: {  	s30 =	sld [smem:$0x0];
	_ =	sdelay $0x2  }
0xc7: {  	s31 =	sshll.u32 s1, $0xD;
	s1 =	sshrl.u32 s1, $0x2  }
0xc8: {  	s4 =	sand.u32 $0x4000, s31;
	s1 =	sadd.s32 s1, s30  }
0xc9: {  	s0 =	sor.u32 s4, s0;
	s1 =	sshll.u32 s1, $0x11  }
0xca: {  	s0 =	sor.u32 s1, s0  }
0xcb: {  	s0 =	sadd.s32 $0x8F2B, s0  }
0xcc: {  	[sflag:s0] =	ssyncadd.remote.s32 $0x1  }
0xcd: {  	_ =	sfence.sel $0xFFFF  }
0xce: {  	[dreg:$0x0] =	wrdreg $0xFFFFFFFF;
	(pc) =	sbr.abs _section_cstart, $3  }
0xcf: {  	[dreg:$0x1] =	wrdreg $0xFFFFFFFF  }
0xd0: {  	_ =	task.clear_ibuf [dreg:s22], $0x2FFFF;
	_ =	strace $0x9FFFFFFF  }
0xd1: {  	(tm) =	ssettm $0x7FFFFFFF  }
tec
execute0_lowered:
.L_overlay_start_1:
0x0: {  	(tag) =	ssettag $0x1  }
0x1: {  	s1 =	srdreg.scid;
	s4 =	rddreg [dreg:$0x0]  }
0x2: {  	s0 =	stileid.u32;
	s5 =	rddreg [dreg:$0x1];
	s15 =	simm.s32 $0x900  }
0x3: {  	s16 =	simm.s32 $0x1100;
	s17 =	simm.s32 $0x1900;
	s18 =	simm.s32 $0x2100  }
0x4: {  	s19 =	simm.s32 $0x2900;
	s20 =	simm.s32 $0x3100;
	s1 =	sand.u32 $0x1, s1  }
0x5: {  	s21 =	simm.s32 $0x3900;
	s2 =	sshll.u32 s0, $0x9;
	s3 =	sshll.u32 s1, $0x8  }
0x6: {  	s22 =	simm.s32 $0x4100;
	s3 =	sor.u32 s3, s2;
	s2 =	simm.s32 $0x0  }
0x7: {  	s24 =	simm.s32 $0x4900;
	s25 =	simm.s32 $0x5100;
	[smem:$0x7FF] =	sst s2  }
0x8: {  	s26 =	simm.s32 $0x5900;
	_ =	strace $0x8000004A;
	[dreg:$0x5] =	wrdreg s15  }
0x9: {  	s7 =	simm.s32 $0x100;
	s9 =	simm.s32 $0x6900;
	[dreg:$0x6] =	wrdreg s16  }
0xa: {  	s10 =	simm.s32 $0x7100;
	s11 =	simm.s32 $0x7900;
	[dreg:$0x7] =	wrdreg s17  }
0xb: {  	s12 =	simm.s32 $0x8100;
	s13 =	simm.s32 $0x8900;
	[dreg:$0x8] =	wrdreg s18  }
0xc: {  	s14 =	simm.s32 $0x9100;
	s28 =	simm.s32 $0xF900;
	[dreg:$0x9] =	wrdreg s19  }
0xd: {  	s29 =	simm.s32 $0x1;
	s30 =	simm.s32 $0x2;
	[dreg:$0xa] =	wrdreg s20  }
0xe: {  	s31 =	simm.s32 $0x3;
	s1 =	ssub.s32 $0x2, s1;
	[dreg:$0xb] =	wrdreg s21  }
0xf: {  	s23 =	sshrl.u32 s1, $0x1;
	s6 =	sshrl.u32 s3, $0x3;
	[dreg:$0xc] =	wrdreg s22  }
0x10: {  	s3 =	sshll.u32 s3, $0x5;
	s1 =	ssub.s32 s1, s23;
	[dreg:$0xd] =	wrdreg s24  }
0x11: {  	s23 =	simm.s32 $0xD900;
	s6 =	sadd.s32 s6, s4;
	[dreg:$0xe] =	wrdreg s25  }
0x12: {  	s3 =	sadd.s32 s5, s3;
	s4 =	sadd.s32 $0x1600, s4;
	[dreg:$0xf] =	wrdreg s26  }
0x13: {  	s15 =	simm.s32 $0x9900;
	s16 =	simm.s32 $0xA100;
	s17 =	simm.s32 $0xA900  }
0x14: {  	s18 =	simm.s32 $0xB100;
	s19 =	simm.s32 $0xB900;
	s20 =	simm.s32 $0xC100  }
0x15: {  	s21 =	simm.s32 $0xC900;
	s22 =	simm.s32 $0xD100;
	s6 =	sadd.s32 $0x1200, s6  }
0x16: {  	v2 =	vlaneseq.u32;
	s24 =	simm.s32 $0xE100;
	s5 =	sadd.s32 $0x1000, s3;
	[dreg:$0x3] =	wrdreg s6  }
0x17: {  	vm0 =	vmmov $0xffff;
	v1 =	vshrl.u32 v2, $0x3;
	s25 =	simm.s32 $0xE900;
	s26 =	simm.s32 $0xF100;
	[dreg:$0x4] =	wrdreg s5  }
0x18: {  	v0 =	vand.u32 $0x7, v2;
	v2 =	vor.u32 $0x8, v2;
	v1 =	vmul.u32 $0x8, v1;
	s5 =	smax.u32 s1, $0x1;
	s6 =	simm.s32 $0x5;
	s1 =	simm.s32 $0x4  }
.LBB2_1:
0x19: {  	s0 =	rddreg [dreg:$0x3]  }
0x1a: {  	[tilespmem:s2], [sflag:$0x5] =	stream.linear.gather [hbm4b:s0+s2], $0x100, $0x38;
	[tilespmem:$0x10100] =	vst v63  }
0x1b: {  	_ =	swait.ge [sflag:s6], $0x100  }
0x1c: {  	[sflag:s6] =	ssyncset.done $0x0  }
0x1d: {  	[sflag:s6] =	ssyncadd.s32 $0xFFFFFF00  }
0x1e: {  	v3 =	vld [tilespmem:$0x0];
	_ =	sdelay $0x4  }
0x1f: {  	v4 =	vshll.u32 v3, $0x1  }
0x20: {  	v3 =	vand.u32 $0x7, v3;
	v4 =	vand.u32 $0xFFFFFFF0, v4  }
0x21: {  	v3 =	vor.u32 v3, v4  }
0x22: {  	v4 =	vperm.xlane v3, v0;
	_ =	sdelay $0x1  }
0x23: {  	v3 =	vperm.xlane v3, v2;
	v4 =	vadd.s32 v1, v4;
	_ =	sdelay $0x1  }
0x24: {  	v3 =	vadd.s32 v1, v3;
	_ =	sdelay $0x2  }
0x25: {  	[tilespmem:s7], [sflag:$0x1] =	stream.indirect_vreg.gather [hbm4b:s4+s2], $0x80, v4, vm0, $0xb8;
	[tilespmem:$0x10100] =	vst v63  }
0x26: {  	s8 =	rddreg [dreg:$0x5]  }
0x27: {  	[tilespmem:s8], [sflag:$0x1] =	stream.indirect_vreg.gather [hbm4b:s4+s2], $0x80, v3, vm0, $0xb8;
	[tilespmem:$0x10100] =	vst v63  }
0x28: {  	v3 =	vld [tilespmem:$0x10];
	_ =	sdelay $0x4  }
0x29: {  	v49 =	vshll.u32 v3, $0x1  }
0x2a: {  	v3 =	vand.u32 $0x7, v3;
	v4 =	vand.u32 $0xFFFFFFF0, v49  }
0x2b: {  	v3 =	vor.u32 v3, v4  }
0x2c: {  	v4 =	vperm.xlane v3, v0;
	_ =	sdelay $0x1  }
0x2d: {  	v3 =	vperm.xlane v3, v2;
	v4 =	vadd.s32 v1, v4;
	_ =	sdelay $0x1  }
0x2e: {  	v3 =	vadd.s32 v1, v3;
	_ =	sdelay $0x1  }
0x2f: {  	s0 =	rddreg [dreg:$0x6]  }
0x30: {  	[tilespmem:s0], [sflag:$0x1] =	stream.indirect_vreg.gather [hbm4b:s4+s2], $0x80, v4, vm0, $0xb8;
	[tilespmem:$0x10100] =	vst v63  }
0x31: {  	s8 =	rddreg [dreg:$0x7]  }
0x32: {  	[tilespmem:s8], [sflag:$0x1] =	stream.indirect_vreg.gather [hbm4b:s4+s2], $0x80, v3, vm0, $0xb8;
	[tilespmem:$0x10100] =	vst v63  }
0x33: {  	v3 =	vld [tilespmem:$0x20];
	_ =	sdelay $0x4  }
0x34: {  	v50 =	vshll.u32 v3, $0x1  }
0x35: {  	v3 =	vand.u32 $0x7, v3;
	v4 =	vand.u32 $0xFFFFFFF0, v50  }
0x36: {  	v3 =	vor.u32 v3, v4  }
0x37: {  	v4 =	vperm.xlane v3, v0;
	_ =	sdelay $0x1  }
0x38: {  	v3 =	vperm.xlane v3, v2;
	v4 =	vadd.s32 v1, v4;
	_ =	sdelay $0x1  }
0x39: {  	v3 =	vadd.s32 v1, v3;
	_ =	sdelay $0x1  }
0x3a: {  	s0 =	rddreg [dreg:$0x8]  }
0x3b: {  	[tilespmem:s0], [sflag:$0x1] =	stream.indirect_vreg.gather [hbm4b:s4+s2], $0x80, v4, vm0, $0xb8;
	[tilespmem:$0x10100] =	vst v63  }
0x3c: {  	s8 =	rddreg [dreg:$0x9]  }
0x3d: {  	[tilespmem:s8], [sflag:$0x1] =	stream.indirect_vreg.gather [hbm4b:s4+s2], $0x80, v3, vm0, $0xb8;
	[tilespmem:$0x10100] =	vst v63  }
0x3e: {  	v3 =	vld [tilespmem:$0x30];
	_ =	sdelay $0x4  }
0x3f: {  	v51 =	vshll.u32 v3, $0x1  }
0x40: {  	v3 =	vand.u32 $0x7, v3;
	v4 =	vand.u32 $0xFFFFFFF0, v51  }
0x41: {  	v3 =	vor.u32 v3, v4  }
0x42: {  	v4 =	vperm.xlane v3, v0;
	_ =	sdelay $0x1  }
0x43: {  	v3 =	vperm.xlane v3, v2;
	v4 =	vadd.s32 v1, v4;
	_ =	sdelay $0x1  }
0x44: {  	v3 =	vadd.s32 v1, v3;
	_ =	sdelay $0x1  }
0x45: {  	s0 =	rddreg [dreg:$0xa]  }
0x46: {  	[tilespmem:s0], [sflag:$0x1] =	stream.indirect_vreg.gather [hbm4b:s4+s2], $0x80, v4, vm0, $0xb8;
	[tilespmem:$0x10100] =	vst v63  }
0x47: {  	s8 =	rddreg [dreg:$0xb]  }
0x48: {  	[tilespmem:s8], [sflag:$0x1] =	stream.indirect_vreg.gather [hbm4b:s4+s2], $0x80, v3, vm0, $0xb8;
	[tilespmem:$0x10100] =	vst v63  }
0x49: {  	v3 =	vld [tilespmem:$0x40];
	_ =	sdelay $0x4  }
0x4a: {  	v52 =	vshll.u32 v3, $0x1  }
0x4b: {  	v3 =	vand.u32 $0x7, v3;
	v4 =	vand.u32 $0xFFFFFFF0, v52  }
0x4c: {  	v3 =	vor.u32 v3, v4  }
0x4d: {  	v4 =	vperm.xlane v3, v0;
	_ =	sdelay $0x1  }
0x4e: {  	v3 =	vperm.xlane v3, v2;
	v4 =	vadd.s32 v1, v4;
	_ =	sdelay $0x1  }
0x4f: {  	v3 =	vadd.s32 v1, v3;
	_ =	sdelay $0x1  }
0x50: {  	s0 =	rddreg [dreg:$0xc]  }
0x51: {  	[tilespmem:s0], [sflag:$0x1] =	stream.indirect_vreg.gather [hbm4b:s4+s2], $0x80, v4, vm0, $0xb8;
	[tilespmem:$0x10100] =	vst v63  }
0x52: {  	s8 =	rddreg [dreg:$0xd]  }
0x53: {  	[tilespmem:s8], [sflag:$0x1] =	stream.indirect_vreg.gather [hbm4b:s4+s2], $0x80, v3, vm0, $0xb8;
	[tilespmem:$0x10100] =	vst v63  }
0x54: {  	v3 =	vld [tilespmem:$0x50];
	_ =	sdelay $0x4  }
0x55: {  	v53 =	vshll.u32 v3, $0x1  }
0x56: {  	v3 =	vand.u32 $0x7, v3;
	v4 =	vand.u32 $0xFFFFFFF0, v53  }
0x57: {  	v3 =	vor.u32 v3, v4  }
0x58: {  	v4 =	vperm.xlane v3, v0;
	_ =	sdelay $0x1  }
0x59: {  	v3 =	vperm.xlane v3, v2;
	v4 =	vadd.s32 v1, v4;
	_ =	sdelay $0x1  }
0x5a: {  	v3 =	vadd.s32 v1, v3;
	_ =	sdelay $0x1  }
0x5b: {  	s0 =	rddreg [dreg:$0xe]  }
0x5c: {  	[tilespmem:s0], [sflag:$0x1] =	stream.indirect_vreg.gather [hbm4b:s4+s2], $0x80, v4, vm0, $0xb8;
	[tilespmem:$0x10100] =	vst v63  }
0x5d: {  	s8 =	rddreg [dreg:$0xf]  }
0x5e: {  	[tilespmem:s8], [sflag:$0x1] =	stream.indirect_vreg.gather [hbm4b:s4+s2], $0x80, v3, vm0, $0xb8;
	[tilespmem:$0x10100] =	vst v63  }
0x5f: {  	v3 =	vld [tilespmem:$0x60];
	_ =	sdelay $0x4  }
0x60: {  	v54 =	vshll.u32 v3, $0x1  }
0x61: {  	v3 =	vand.u32 $0x7, v3;
	v4 =	vand.u32 $0xFFFFFFF0, v54  }
0x62: {  	v3 =	vor.u32 v3, v4  }
0x63: {  	v4 =	vperm.xlane v3, v0;
	_ =	sdelay $0x1  }
0x64: {  	v3 =	vperm.xlane v3, v2;
	v4 =	vadd.s32 v1, v4;
	_ =	sdelay $0x1  }
0x65: {  	v3 =	vadd.s32 v1, v3;
	_ =	sdelay $0x1  }
0x66: {  	s8 =	simm.s32 $0x6100  }
0x67: {  	[tilespmem:s8], [sflag:$0x1] =	stream.indirect_vreg.gather [hbm4b:s4+s2], $0x80, v4, vm0, $0xb8;
	[tilespmem:$0x10100] =	vst v63  }
0x68: {  	_ = 	snop  }
0x69: {  	[tilespmem:s9], [sflag:$0x1] =	stream.indirect_vreg.gather [hbm4b:s4+s2], $0x80, v3, vm0, $0xb8;
	[tilespmem:$0x10100] =	vst v63  }
0x6a: {  	v3 =	vld [tilespmem:$0x70];
	_ =	sdelay $0x4  }
0x6b: {  	v55 =	vshll.u32 v3, $0x1  }
0x6c: {  	v3 =	vand.u32 $0x7, v3;
	v4 =	vand.u32 $0xFFFFFFF0, v55  }
0x6d: {  	v3 =	vor.u32 v3, v4  }
0x6e: {  	v4 =	vperm.xlane v3, v0;
	_ =	sdelay $0x1  }
0x6f: {  	v3 =	vperm.xlane v3, v2;
	v4 =	vadd.s32 v1, v4;
	_ =	sdelay $0x1  }
0x70: {  	v3 =	vadd.s32 v1, v3;
	_ =	sdelay $0x2  }
0x71: {  	[tilespmem:s10], [sflag:$0x1] =	stream.indirect_vreg.gather [hbm4b:s4+s2], $0x80, v4, vm0, $0xb8;
	[tilespmem:$0x10100] =	vst v63  }
0x72: {  	_ = 	snop  }
0x73: {  	[tilespmem:s11], [sflag:$0x1] =	stream.indirect_vreg.gather [hbm4b:s4+s2], $0x80, v3, vm0, $0xb8;
	[tilespmem:$0x10100] =	vst v63  }
0x74: {  	v3 =	vld [tilespmem:$0x80];
	_ =	sdelay $0x4  }
0x75: {  	v56 =	vshll.u32 v3, $0x1  }
0x76: {  	v3 =	vand.u32 $0x7, v3;
	v4 =	vand.u32 $0xFFFFFFF0, v56  }
0x77: {  	v3 =	vor.u32 v3, v4  }
0x78: {  	v4 =	vperm.xlane v3, v0;
	_ =	sdelay $0x1  }
0x79: {  	v3 =	vperm.xlane v3, v2;
	v4 =	vadd.s32 v1, v4;
	_ =	sdelay $0x1  }
0x7a: {  	v3 =	vadd.s32 v1, v3;
	_ =	sdelay $0x2  }
0x7b: {  	[tilespmem:s12], [sflag:$0x2] =	stream.indirect_vreg.gather [hbm4b:s4+s2], $0x80, v4, vm0, $0xb8;
	[tilespmem:$0x10100] =	vst v63  }
0x7c: {  	_ = 	snop  }
0x7d: {  	[tilespmem:s13], [sflag:$0x2] =	stream.indirect_vreg.gather [hbm4b:s4+s2], $0x80, v3, vm0, $0xb8;
	[tilespmem:$0x10100] =	vst v63  }
0x7e: {  	v3 =	vld [tilespmem:$0x90];
	_ =	sdelay $0x4  }
0x7f: {  	v57 =	vshll.u32 v3, $0x1  }
0x80: {  	v3 =	vand.u32 $0x7, v3;
	v4 =	vand.u32 $0xFFFFFFF0, v57  }
0x81: {  	v3 =	vor.u32 v3, v4  }
0x82: {  	v4 =	vperm.xlane v3, v0;
	_ =	sdelay $0x1  }
0x83: {  	v3 =	vperm.xlane v3, v2;
	v4 =	vadd.s32 v1, v4;
	_ =	sdelay $0x1  }
0x84: {  	v3 =	vadd.s32 v1, v3;
	_ =	sdelay $0x2  }
0x85: {  	[tilespmem:s14], [sflag:$0x2] =	stream.indirect_vreg.gather [hbm4b:s4+s2], $0x80, v4, vm0, $0xb8;
	[tilespmem:$0x10100] =	vst v63  }
0x86: {  	_ = 	snop  }
0x87: {  	[tilespmem:s15], [sflag:$0x2] =	stream.indirect_vreg.gather [hbm4b:s4+s2], $0x80, v3, vm0, $0xb8;
	[tilespmem:$0x10100] =	vst v63  }
0x88: {  	v3 =	vld [tilespmem:$0xA0];
	_ =	sdelay $0x4  }
0x89: {  	v58 =	vshll.u32 v3, $0x1  }
0x8a: {  	v3 =	vand.u32 $0x7, v3;
	v4 =	vand.u32 $0xFFFFFFF0, v58  }
0x8b: {  	v3 =	vor.u32 v3, v4  }
0x8c: {  	v4 =	vperm.xlane v3, v0;
	_ =	sdelay $0x1  }
0x8d: {  	v3 =	vperm.xlane v3, v2;
	v4 =	vadd.s32 v1, v4;
	_ =	sdelay $0x1  }
0x8e: {  	v3 =	vadd.s32 v1, v3;
	_ =	sdelay $0x2  }
0x8f: {  	[tilespmem:s16], [sflag:$0x2] =	stream.indirect_vreg.gather [hbm4b:s4+s2], $0x80, v4, vm0, $0xb8;
	[tilespmem:$0x10100] =	vst v63  }
0x90: {  	_ = 	snop  }
0x91: {  	[tilespmem:s17], [sflag:$0x2] =	stream.indirect_vreg.gather [hbm4b:s4+s2], $0x80, v3, vm0, $0xb8;
	[tilespmem:$0x10100] =	vst v63  }
0x92: {  	v3 =	vld [tilespmem:$0xB0];
	_ =	sdelay $0x4  }
0x93: {  	v59 =	vshll.u32 v3, $0x1  }
0x94: {  	v3 =	vand.u32 $0x7, v3;
	v4 =	vand.u32 $0xFFFFFFF0, v59  }
0x95: {  	v3 =	vor.u32 v3, v4  }
0x96: {  	v4 =	vperm.xlane v3, v0;
	_ =	sdelay $0x1  }
0x97: {  	v3 =	vperm.xlane v3, v2;
	v4 =	vadd.s32 v1, v4;
	_ =	sdelay $0x1  }
0x98: {  	v3 =	vadd.s32 v1, v3;
	_ =	sdelay $0x2  }
0x99: {  	[tilespmem:s18], [sflag:$0x2] =	stream.indirect_vreg.gather [hbm4b:s4+s2], $0x80, v4, vm0, $0xb8;
	[tilespmem:$0x10100] =	vst v63  }
0x9a: {  	_ = 	snop  }
0x9b: {  	[tilespmem:s19], [sflag:$0x2] =	stream.indirect_vreg.gather [hbm4b:s4+s2], $0x80, v3, vm0, $0xb8;
	[tilespmem:$0x10100] =	vst v63  }
0x9c: {  	v3 =	vld [tilespmem:$0xC0];
	_ =	sdelay $0x4  }
0x9d: {  	v60 =	vshll.u32 v3, $0x1  }
0x9e: {  	v3 =	vand.u32 $0x7, v3;
	v4 =	vand.u32 $0xFFFFFFF0, v60  }
0x9f: {  	v3 =	vor.u32 v3, v4  }
0xa0: {  	v4 =	vperm.xlane v3, v0;
	_ =	sdelay $0x1  }
0xa1: {  	v3 =	vperm.xlane v3, v2;
	v4 =	vadd.s32 v1, v4;
	_ =	sdelay $0x1  }
0xa2: {  	v3 =	vadd.s32 v1, v3;
	_ =	sdelay $0x2  }
0xa3: {  	[tilespmem:s20], [sflag:$0x2] =	stream.indirect_vreg.gather [hbm4b:s4+s2], $0x80, v4, vm0, $0xb8;
	[tilespmem:$0x10100] =	vst v63  }
0xa4: {  	_ = 	snop  }
0xa5: {  	[tilespmem:s21], [sflag:$0x2] =	stream.indirect_vreg.gather [hbm4b:s4+s2], $0x80, v3, vm0, $0xb8;
	[tilespmem:$0x10100] =	vst v63  }
0xa6: {  	v3 =	vld [tilespmem:$0xD0];
	_ =	sdelay $0x4  }
0xa7: {  	v61 =	vshll.u32 v3, $0x1  }
0xa8: {  	v3 =	vand.u32 $0x7, v3;
	v4 =	vand.u32 $0xFFFFFFF0, v61  }
0xa9: {  	v3 =	vor.u32 v3, v4  }
0xaa: {  	v4 =	vperm.xlane v3, v0;
	_ =	sdelay $0x1  }
0xab: {  	v3 =	vperm.xlane v3, v2;
	v4 =	vadd.s32 v1, v4;
	_ =	sdelay $0x1  }
0xac: {  	v3 =	vadd.s32 v1, v3;
	_ =	sdelay $0x2  }
0xad: {  	[tilespmem:s22], [sflag:$0x2] =	stream.indirect_vreg.gather [hbm4b:s4+s2], $0x80, v4, vm0, $0xb8;
	[tilespmem:$0x10100] =	vst v63  }
0xae: {  	_ = 	snop  }
0xaf: {  	[tilespmem:s23], [sflag:$0x2] =	stream.indirect_vreg.gather [hbm4b:s4+s2], $0x80, v3, vm0, $0xb8;
	[tilespmem:$0x10100] =	vst v63  }
0xb0: {  	v3 =	vld [tilespmem:$0xE0];
	_ =	sdelay $0x4  }
0xb1: {  	v62 =	vshll.u32 v3, $0x1  }
0xb2: {  	v3 =	vand.u32 $0x7, v3;
	v4 =	vand.u32 $0xFFFFFFF0, v62  }
0xb3: {  	v3 =	vor.u32 v3, v4  }
0xb4: {  	v4 =	vperm.xlane v3, v0;
	_ =	sdelay $0x1  }
0xb5: {  	v3 =	vperm.xlane v3, v2;
	v4 =	vadd.s32 v1, v4;
	_ =	sdelay $0x1  }
0xb6: {  	v3 =	vadd.s32 v1, v3;
	_ =	sdelay $0x2  }
0xb7: {  	[tilespmem:s24], [sflag:$0x2] =	stream.indirect_vreg.gather [hbm4b:s4+s2], $0x80, v4, vm0, $0xb8;
	[tilespmem:$0x10100] =	vst v63  }
0xb8: {  	_ = 	snop  }
0xb9: {  	[tilespmem:s25], [sflag:$0x2] =	stream.indirect_vreg.gather [hbm4b:s4+s2], $0x80, v3, vm0, $0xb8;
	[tilespmem:$0x10100] =	vst v63  }
0xba: {  	v3 =	vld [tilespmem:$0xF0];
	_ =	sdelay $0x4  }
0xbb: {  	v63 =	vshll.u32 v3, $0x1  }
0xbc: {  	v3 =	vand.u32 $0x7, v3;
	v4 =	vand.u32 $0xFFFFFFF0, v63  }
0xbd: {  	v3 =	vor.u32 v3, v4  }
0xbe: {  	v4 =	vperm.xlane v3, v0;
	_ =	sdelay $0x1  }
0xbf: {  	v3 =	vperm.xlane v3, v2;
	v4 =	vadd.s32 v1, v4;
	_ =	sdelay $0x1  }
0xc0: {  	v3 =	vadd.s32 v1, v3;
	_ =	sdelay $0x2  }
0xc1: {  	[tilespmem:s26], [sflag:$0x2] =	stream.indirect_vreg.gather [hbm4b:s4+s2], $0x80, v4, vm0, $0xb8;
	[tilespmem:$0x10100] =	vst v63  }
0xc2: {  	_ = 	snop  }
0xc3: {  	[tilespmem:s28], [sflag:$0x2] =	stream.indirect_vreg.gather [hbm4b:s4+s2], $0x80, v3, vm0, $0xb8;
	[tilespmem:$0x10100] =	vst v63  }
0xc4: {  	_ =	swait.ge [sflag:s29], $0x8000  }
0xc5: {  	[sflag:s29] =	ssyncset.done $0x0  }
0xc6: {  	[sflag:s29] =	ssyncadd.s32 $0xFFFF8000  }
0xc7: {  	[hbm4b:s3+s2] =	stream.linear.scatter [tilespmem:s7], [sflag:$0x3], $0x8000, $0x38;
	[tilespmem:$0x10100] =	vst v63  }
0xc8: {  	_ =	swait.ge [sflag:s30], $0x8000  }
0xc9: {  	[sflag:s30] =	ssyncset.done $0x0  }
0xca: {  	s8 =	rddreg [dreg:$0x4];
	[sflag:s30] =	ssyncadd.s32 $0xFFFF8000  }
0xcb: {  	[hbm4b:s8+s2] =	stream.linear.scatter [tilespmem:s12], [sflag:$0x4], $0x8000, $0x38;
	[tilespmem:$0x10100] =	vst v63  }
0xcc: {  	p0 =	sne.s32 s5, $0x1;
	_ =	swait.ge [sflag:s31], $0x8000  }
.Ltmp0:
0xcd: {  	[sflag:s31] =	ssyncset.done $0x0;
	(pc) =	sbr.rel @p0 .LBB2_1-.Ltmp0, $4  }
0xce: {  	[sflag:s31] =	ssyncadd.s32 $0xFFFF8000  }
0xcf: {  	_ =	swait.ge [sflag:s1], $0x8000  }
0xd0: {  	[sflag:s1] =	ssyncset.done $0x0  }
0xd1: {  	s5 =	sadd.s32 $0xFFFFFFFF, s5;
	[sflag:s1] =	ssyncadd.s32 $0xFFFF8000  }
0xd2: {  	_ =	sfence.sel $0x180000  }
0xd3: {  	[bflag:$0x0] =	sbarrier.arrive $0xFFFF  }
0xd4: {  	_ =	strace $0x9000004A  }
0xd5: {  	s0 =	stileid.u32;
	[bflag:$0x2] =	sbarrier.arrive $0xFFFF  }
0xd6: {  	p0 =	sne.s32 s0, $0x0;
	s0 =	rddreg [dreg:$0x2]  }
0xd7: {  	s0 =	sadd.s32 @!p0 $0x100000, s0  }
0xd8: {  	[sflag:s0] =	ssyncadd.tile.s32 @!p0 $0x1;
	_ =	shalt  }
.Lfunc_end2:
_tile_overlayer_lowered:
.L_overlay_start_2:
0xd9: {  	(tag) =	ssettag $0x2  }
0xda: {  	s0 =	rddreg [dreg:$0x0];
	s2 =	stileid.u32  }
0xdb: {  	s1 =	rddreg [dreg:$0x1];
	p0 =	sne.s32 s2, $0x0  }
0xdc: {  	s3 =	rddreg [dreg:$0x2];
	[bflag:$0x3] =	sbarrier.arrive $0xFFFF;
	s2 =	simm.s32 @!p0 $0x1C05  }
0xdd: {  	[timem:s3], [sflag:s2] =	dma.local @!p0 [hbm:s0], s1  }
0xde: {  	s0 =	simm.s32 @!p0 $0x5  }
0xdf: {  	_ =	swait.ge @!p0 [sflag:s0], s1  }
0xe0: {  	s1 =	ssub.s32 @!p0 $0x0, s1;
	[sflag:s0] =	ssyncset.done @!p0 $0x0  }
0xe1: {  	[sflag:s0] =	ssyncadd.s32 @!p0 s1  }
0xe2: {  	[bflag:$0x3] =	sbarrier.arrive $0xFFFF  }
0xe3: {  	_ =	shalt  }

// kernel: kernel.8.cloned.1.call-start
scs
__scs_entry_jumppad:
0x0: {  	(pc) =	sbr.rel $0x88, $3  }
0x1: {  	(tag) =	ssettag $0x0;
	lr =	simm.s32 $0x1  }
0x2: {  	[smem:$0x3F9F] =	sst lr;
	_ =	strace $0xD0000000  }
0x3: {  	_ = 	snop  }
0x4: {  	_ = 	snop  }
0x5: {  	_ = 	snop  }
0x6: {  	_ = 	snop  }
0x7: {  	_ = 	snop  }
__scs_overlays_trampoline_lowered:
0x8: {  	[smem:$0x3FAE] =	sst s0  }
0x9: {  	[smem:$0x3FAF] =	sst s1  }
0xa: {  	[smem:$0x3FB0] =	sst s2  }
0xb: {  	[smem:$0x3FB1] =	sst s3  }
0xc: {  	[smem:$0x3FB2] =	sst s4  }
0xd: {  	[smem:$0x3FB3] =	sst s5  }
0xe: {  	[smem:$0x3FB4] =	sst s6  }
0xf: {  	[smem:$0x3FB5] =	sst s7  }
0x10: {  	[smem:$0x3FB6] =	sst s8  }
0x11: {  	[smem:$0x3FB7] =	sst s9;
	s0 =	simm.s32 @!p0 $0x0  }
0x12: {  	s1 =	sld [smem:$0x3F9D];
	s0 =	simm.s32 @p0 $0x1  }
0x13: {  	[smem:$0x3FB8] =	sst s0;
	s0 =	simm.s32 @!p1 $0x0  }
0x14: {  	s2 =	sld [smem:$0x3F9C];
	s0 =	simm.s32 @p1 $0x1  }
0x15: {  	[smem:$0x3FB9] =	sst s0;
	s0 =	simm.s32 @!p2 $0x0  }
0x16: {  	s3 =	sld [smem:$0x3FDB];
	s0 =	simm.s32 @p2 $0x1  }
0x17: {  	s4 =	simm.s32 $0x1BF5;
	[smem:$0x3FBB] =	sst s0  }
0x18: {  	s0 =	sld [smem:$0x3F9E];
	_ =	swait.ge [sflag:s4], $0x0  }
0x19: {  	s7 =	sld [smem:$0x3F9F]  }
0x1a: {  	s8 =	sadd.s32 $0xFFFFE003, lr  }
0x1b: {  	s9 =	sadd.s32 $0xFFFFFEF7, lr;
	s5 =	simm.s32 $0xFFFFFFFF;
	p2 =	slt.u32 s8, $0xFFFFF086  }
0x1c: {  	p1 =	slt.u32 s9, $0xF7A;
	s5 =	simm.s32 @!p2 $0x0  }
0x1d: {  	s5 =	simm.s32 @p1 $0x1;
	p0 =	seq.s32 s7, s2  }
0x1e: {  	s7 =	smul.u32 @!p0 $0xF7A, s2;
	p2 =	seq.s32 @!p0 s5, $0x0  }
0x1f: {  	s9 =	smul.u32 $0xF7A, s1;
	s8 =	simm.s32 @!p0 $0x1BF5;
	p2 =	por !p2, p0  }
0x20: {  	[sflag:s8] =	ssyncset.s32 @!p0 $0xFFFFF086;
	s6 =	sadd.s32 @!p0 s3, s7;
	s7 =	simm.s32 @!p0 $0x108  }
0x21: {  	s3 =	sadd.s32 s3, s9;
	s6 =	sadd.s32 @!p0 $0x88, s6;
	s7 =	simm.s32 @p2 $0x1082  }
0x22: {  	[simem:s7], [sflag:s8] =	dma.local @!p0 [hbm:s6], $0xF7A  }
0x23: {  	s9 =	sor.u32 $0xD0000000, s2;
	s6 =	simm.s32 $0x108;
	_ =	swait.ge @!p0 [sflag:s8], $0x0  }
0x24: {  	s3 =	sadd.s32 $0x88, s3;
	s6 =	simm.s32 @!p1 $0x1082;
	[sflag:s4] =	ssyncset.s32 $0xFFFFF086  }
0x25: {  	[simem:s6], [sflag:s4] =	dma.local [hbm:s3], $0xF7A  }
0x26: {  	[smem:$0x3F9F] =	sst s1;
	(tag) =	ssettag s2;
	_ =	strace s9  }
0x27: {  	s1 =	sld [smem:$0x3FAF]  }
0x28: {  	s2 =	sld [smem:$0x3FB0]  }
0x29: {  	s4 =	sld [smem:$0x3FB2]  }
0x2a: {  	p0 =	seq.s32 s5, $0x0;
	s5 =	sld [smem:$0x3FB3]  }
0x2b: {  	s6 =	sld [smem:$0x3FB4]  }
0x2c: {  	s7 =	sld [smem:$0x3FB5]  }
0x2d: {  	s3 =	simm.s32 $0x108;
	s8 =	sld [smem:$0x3FB6]  }
0x2e: {  	s3 =	simm.s32 @!p0 $0x1082;
	s9 =	sld [smem:$0x3FB7]  }
0x2f: {  	lr =	sadd.s32 s0, s3;
	s0 =	sld [smem:$0x3FAE]  }
0x30: {  	s3 =	sld [smem:$0x3FB1]  }
0x31: {  	[smem:$0x3FBA] =	sst s10  }
0x32: {  	s10 =	sld [smem:$0x3FB8];
	_ =	sdelay $0x3  }
0x33: {  	p0 =	seq.s32 s10, $0x1;
	s10 =	sld [smem:$0x3FBA];
	_ =	sdelay $0x3  }
0x34: {  	[smem:$0x3FBA] =	sst s10  }
0x35: {  	s10 =	sld [smem:$0x3FB9];
	_ =	sdelay $0x3  }
0x36: {  	p1 =	seq.s32 s10, $0x1;
	s10 =	sld [smem:$0x3FBA];
	_ =	sdelay $0x3  }
0x37: {  	[smem:$0x3FBA] =	sst s10  }
0x38: {  	s10 =	sld [smem:$0x3FBB]  }
0x39: {  	_ = 	snop;
	(pc) =	sbr.ind lr, $3  }
0x3a: {  	_ = 	snop  }
0x3b: {  	_ = 	snop  }
0x3c: {  	p2 =	seq.s32 s10, $0x1;
	s10 =	sld [smem:$0x3FBA]  }
0x3d: {  	_ =	shalt  }
0x3e: {  	_ =	shalt  }
0x3f: {  	_ =	shalt  }
0x40: {  	_ =	shalt  }
0x41: {  	_ =	shalt  }
0x42: {  	_ =	shalt  }
0x43: {  	_ =	shalt  }
0x44: {  	_ =	shalt  }
0x45: {  	_ =	shalt  }
0x46: {  	_ =	shalt  }
0x47: {  	_ =	shalt  }
0x48: {  	_ =	shalt  }
0x49: {  	_ =	shalt  }
0x4a: {  	_ =	shalt  }
0x4b: {  	_ =	shalt  }
0x4c: {  	_ =	shalt  }
0x4d: {  	_ =	shalt  }
0x4e: {  	_ =	shalt  }
0x4f: {  	_ =	shalt  }
0x50: {  	_ =	shalt  }
0x51: {  	_ =	shalt  }
0x52: {  	_ =	shalt  }
0x53: {  	_ =	shalt  }
0x54: {  	_ =	shalt  }
0x55: {  	_ =	shalt  }
0x56: {  	_ =	shalt  }
0x57: {  	_ =	shalt  }
0x58: {  	_ =	shalt  }
0x59: {  	_ =	shalt  }
0x5a: {  	_ =	shalt  }
0x5b: {  	_ =	shalt  }
0x5c: {  	_ =	shalt  }
0x5d: {  	_ =	shalt  }
0x5e: {  	_ =	shalt  }
0x5f: {  	_ =	shalt  }
0x60: {  	_ =	shalt  }
0x61: {  	_ =	shalt  }
0x62: {  	_ =	shalt  }
0x63: {  	_ =	shalt  }
0x64: {  	_ =	shalt  }
0x65: {  	_ =	shalt  }
0x66: {  	_ =	shalt  }
0x67: {  	_ =	shalt  }
0x68: {  	_ =	shalt  }
0x69: {  	_ =	shalt  }
0x6a: {  	_ =	shalt  }
0x6b: {  	_ =	shalt  }
0x6c: {  	_ =	shalt  }
0x6d: {  	_ =	shalt  }
0x6e: {  	_ =	shalt  }
0x6f: {  	_ =	shalt  }
0x70: {  	_ =	shalt  }
0x71: {  	_ =	shalt  }
0x72: {  	_ =	shalt  }
0x73: {  	_ =	shalt  }
0x74: {  	_ =	shalt  }
0x75: {  	_ =	shalt  }
0x76: {  	_ =	shalt  }
0x77: {  	_ =	shalt  }
0x78: {  	_ =	shalt  }
0x79: {  	_ =	shalt  }
0x7a: {  	_ =	shalt  }
0x7b: {  	_ =	shalt  }
0x7c: {  	_ =	shalt  }
0x7d: {  	_ =	shalt  }
0x7e: {  	_ =	shalt  }
0x7f: {  	_ =	shalt  }
0x80: {  	_ =	shalt  }
0x81: {  	_ =	shalt  }
0x82: {  	_ =	shalt  }
0x83: {  	_ =	shalt  }
0x84: {  	_ =	shalt  }
0x85: {  	_ =	shalt  }
0x86: {  	_ =	shalt  }
0x87: {  	_ =	shalt  }
.Lfunc_end0:
.L_simem_size_0:
called_computation.1_lowered:
.L_overlay_start_0:
0x88: {  	s2 =	sld [smem:$0x3FD9]  }
0x89: {  	s3 =	sld [smem:$0x3FFE];
	_ =	sdelay $0x1  }
0x8a: {  	s1 =	srdreg.scid  }
0x8b: {  	s0 =	sand.u32 $0x1, s1  }
0x8c: {  	s16 =	sshll.u32 s0, $0xA;
	s2 =	sadd.s32 s3, s2  }
0x8d: {  	s2 =	sadd.s32 s2, s16  }
0x8e: {  	[smem:$0x3FC6] =	sst s2  }
0x8f: {  	_ = 	snop  }
0x90: {  	(tm) =	ssettm $0x1  }
0x91: {  	s17 =	sld [smem:$0x3FFB];
	_ =	sdelay $0x3  }
0x92: {  	_ =	strace s17  }
0x93: {  	s2 =	sld [smem:$0x3FFC];
	_ =	sdelay $0x3  }
0x94: {  	_ =	strace s2  }
0x95: {  	s2 =	sld [smem:$0x3FFD];
	_ =	sdelay $0x3  }
0x96: {  	_ =	strace s2  }
0x97: {  	_ =	strace $0x8FFFFFFF  }
0x98: {  	s18 =	sld [smem:$0x3FDB];
	_ =	sdelay $0x1  }
0x99: {  	s19 =	simm.s32 $_scs_section_size  }
0x9a: {  	s4 =	simm.s32 $_size__tile_overlayer_lowered;
	s5 =	simm.s32 $_tile_overlayer_lowered  }
0x9b: {  	s22 =	simm.s32 $0x1BFF;
	s21 =	sshll.u32 s5, $0x1;
	s2 =	sadd.s32 s19, s18  }
0x9c: {  	s6 =	simm.s32 $0x0;
	s20 =	sshll.u32 s4, $0x1;
	s4 =	sadd.s32 s21, s2  }
0x9d: {  	[timem:s6], [sflag:s22] =	dma.local [hbm:s4], s20  }
0x9e: {  	_ =	swait.ge [sflag:s22], s20  }
0x9f: {  	s3 =	ssub.s32 $0x0, s20;
	[sflag:s22] =	ssyncset.done $0x0  }
0xa0: {  	[sflag:s22] =	ssyncadd.s32 s3;
	_ =	sdelay $0x1  }
0xa1: {  	s23 =	simm.s32 $0x1B8B  }
0xa2: {  	_ =	swait.ge [sflag:s23], $0x1  }
0xa3: {  	[sflag:s23] =	ssyncset.done $0x0  }
0xa4: {  	s25 =	simm.s32 $0x1B8E;
	s24 =	sld [smem:$0x3FFE];
	[sflag:s23] =	ssyncadd.s32 $0xFFFFFFFF  }
0xa5: {  	s26 =	simm.s32 $execute0_lowered;
	[smem:$0x3FD2] =	sst s25  }
0xa6: {  	s4 =	sshll.u32 s26, $0x1;
	_ =	strace $0x80000046;
	[dreg:$0x1] =	wrdreg $0xFFFFFFFF  }
0xa7: {  	s28 =	simm.s32 $_size_execute0_lowered;
	s2 =	sadd.s32 s2, s4;
	[dreg:$0x0] =	wrdreg $0x0  }
0xa8: {  	s4 =	sshll.u32 s28, $0x1;
	[dreg:$0x2] =	wrdreg s2  }
0xa9: {  	[dreg:$0x3] =	wrdreg s4  }
0xaa: {  	[dreg:$0x4] =	wrdreg $0xC0  }
0xab: {  	_ =	task [dreg:s6], $0x5FFFF  }
0xac: {  	[dreg:$0x1] =	wrdreg $0xFFFFFFFF  }
0xad: {  	[dreg:$0x0] =	wrdreg $0x60  }
0xae: {  	[dreg:$0x2] =	wrdreg s24  }
0xaf: {  	[dreg:$0x3] =	wrdreg $0xA  }
0xb0: {  	_ =	task.clear_ibuf [dreg:s6], $0x4FFFF;
	_ =	strace $0x90000046  }
0xb1: {  	s29 =	simm.s32 $0xA;
	_ =	strace $0x80000048  }
0xb2: {  	_ =	swait.ge [sflag:s29], $0x1  }
0xb3: {  	[sflag:s29] =	ssyncadd.s32 $0xFFFFFFFF  }
0xb4: {  	_ =	strace $0x90000048  }
0xb5: {  	_ =	sfence  }
0xb6: {  	s30 =	sld [smem:$0x0];
	_ =	sdelay $0x2  }
0xb7: {  	s31 =	sshll.u32 s1, $0xD;
	s1 =	sshrl.u32 s1, $0x2  }
0xb8: {  	s3 =	sand.u32 $0x4000, s31;
	s1 =	sadd.s32 s1, s30  }
0xb9: {  	s0 =	sor.u32 s3, s0;
	s1 =	sshll.u32 s1, $0x11  }
0xba: {  	s0 =	sor.u32 s1, s0  }
0xbb: {  	s0 =	sadd.s32 $0x8F2B, s0  }
0xbc: {  	[sflag:s0] =	ssyncadd.remote.s32 $0x1  }
0xbd: {  	_ =	sfence.sel $0xFFFF  }
0xbe: {  	[dreg:$0x0] =	wrdreg $0xFFFFFFFF;
	(pc) =	sbr.abs _section_cstart, $3  }
0xbf: {  	[dreg:$0x1] =	wrdreg $0xFFFFFFFF  }
0xc0: {  	_ =	task.clear_ibuf [dreg:s6], $0x2FFFF;
	_ =	strace $0x9FFFFFFF  }
0xc1: {  	(tm) =	ssettm $0x7FFFFFFF  }
tec
execute0_lowered:
.L_overlay_start_1:
0x0: {  	(tag) =	ssettag $0x1  }
0x1: {  	s1 =	srdreg.scid;
	s0 =	stileid.u32  }
0x2: {  	s4 =	rddreg [dreg:$0x0];
	s16 =	simm.s32 $0x900;
	s17 =	simm.s32 $0x1100  }
0x3: {  	s18 =	simm.s32 $0x1900;
	s19 =	simm.s32 $0x2100;
	s20 =	simm.s32 $0x2900  }
0x4: {  	s21 =	simm.s32 $0x3100;
	s23 =	simm.s32 $0x3900;
	s1 =	sand.u32 $0x1, s1  }
0x5: {  	s24 =	simm.s32 $0x4100;
	s2 =	sshll.u32 s0, $0x9;
	s3 =	sshll.u32 s1, $0x8  }
0x6: {  	s25 =	simm.s32 $0x4900;
	s3 =	sor.u32 s3, s2;
	s2 =	simm.s32 $0x0  }
0x7: {  	s26 =	simm.s32 $0x5100;
	s6 =	simm.s32 $0x100;
	[smem:$0x7FF] =	sst s2  }
0x8: {  	s8 =	simm.s32 $0x6100;
	_ =	strace $0x80000047;
	[dreg:$0x5] =	wrdreg s16  }
0x9: {  	s9 =	simm.s32 $0x6900;
	s10 =	simm.s32 $0x7100;
	[dreg:$0x6] =	wrdreg s17  }
0xa: {  	s11 =	simm.s32 $0x7900;
	s12 =	simm.s32 $0x8100;
	[dreg:$0x7] =	wrdreg s18  }
0xb: {  	s13 =	simm.s32 $0x8900;
	s14 =	simm.s32 $0x9100;
	[dreg:$0x8] =	wrdreg s19  }
0xc: {  	s28 =	simm.s32 $0xF900;
	s29 =	simm.s32 $0x1;
	[dreg:$0x9] =	wrdreg s20  }
0xd: {  	s30 =	simm.s32 $0x2;
	s1 =	ssub.s32 $0x2, s1;
	[dreg:$0xa] =	wrdreg s21  }
0xe: {  	s31 =	simm.s32 $0x3;
	s22 =	sshrl.u32 s1, $0x1;
	[dreg:$0xb] =	wrdreg s23  }
0xf: {  	s5 =	sshrl.u32 s3, $0x3;
	s3 =	sshll.u32 s3, $0x5;
	[dreg:$0xc] =	wrdreg s24  }
0x10: {  	s1 =	ssub.s32 s1, s22;
	s22 =	simm.s32 $0xD100;
	[dreg:$0xd] =	wrdreg s25  }
0x11: {  	s5 =	sadd.s32 s5, s4;
	s3 =	sadd.s32 s3, s4;
	[dreg:$0xe] =	wrdreg s26  }
0x12: {  	s16 =	simm.s32 $0xA100;
	s17 =	simm.s32 $0xA900;
	s18 =	simm.s32 $0xB100  }
0x13: {  	s19 =	simm.s32 $0xB900;
	s20 =	simm.s32 $0xC100;
	s21 =	simm.s32 $0xC900  }
0x14: {  	s23 =	simm.s32 $0xD900;
	s24 =	simm.s32 $0xE100;
	s5 =	sadd.s32 $0xE00, s5  }
0x15: {  	s25 =	simm.s32 $0xE900;
	s15 =	sadd.s32 $0x9400, s3;
	[dreg:$0x2] =	wrdreg s5  }
0x16: {  	v2 =	vlaneseq.u32;
	s26 =	simm.s32 $0xF100;
	s3 =	sadd.s32 $0xA400, s3;
	[dreg:$0x3] =	wrdreg s15  }
0x17: {  	vm0 =	vmmov $0xffff;
	v1 =	vshrl.u32 v2, $0x3;
	[dreg:$0x4] =	wrdreg s3;
	s3 =	sadd.s32 $0x1600, s4;
	s4 =	smax.u32 s1, $0x1  }
0x18: {  	v0 =	vand.u32 $0x7, v2;
	v2 =	vor.u32 $0x8, v2;
	v1 =	vmul.u32 $0x8, v1;
	s5 =	simm.s32 $0x5;
	s15 =	simm.s32 $0x9900;
	s1 =	simm.s32 $0x4  }
.LBB2_1:
0x19: {  	s0 =	rddreg [dreg:$0x2]  }
0x1a: {  	[tilespmem:s2], [sflag:$0x5] =	stream.linear.gather [hbm4b:s0+s2], $0x100, $0x38;
	[tilespmem:$0x10100] =	vst v63  }
0x1b: {  	_ =	swait.ge [sflag:s5], $0x100  }
0x1c: {  	[sflag:s5] =	ssyncset.done $0x0  }
0x1d: {  	[sflag:s5] =	ssyncadd.s32 $0xFFFFFF00  }
0x1e: {  	v3 =	vld [tilespmem:$0x0];
	_ =	sdelay $0x4  }
0x1f: {  	v4 =	vshll.u32 v3, $0x1  }
0x20: {  	v3 =	vand.u32 $0x7, v3;
	v4 =	vand.u32 $0xFFFFFFF0, v4  }
0x21: {  	v3 =	vor.u32 v3, v4  }
0x22: {  	v4 =	vperm.xlane v3, v0;
	_ =	sdelay $0x1  }
0x23: {  	v3 =	vperm.xlane v3, v2;
	v4 =	vadd.s32 v1, v4;
	_ =	sdelay $0x1  }
0x24: {  	v3 =	vadd.s32 v1, v3;
	_ =	sdelay $0x2  }
0x25: {  	[tilespmem:s6], [sflag:$0x1] =	stream.indirect_vreg.gather [hbm4b:s3+s2], $0x80, v4, vm0, $0xb8;
	[tilespmem:$0x10100] =	vst v63  }
0x26: {  	s7 =	rddreg [dreg:$0x5]  }
0x27: {  	[tilespmem:s7], [sflag:$0x1] =	stream.indirect_vreg.gather [hbm4b:s3+s2], $0x80, v3, vm0, $0xb8;
	[tilespmem:$0x10100] =	vst v63  }
0x28: {  	v3 =	vld [tilespmem:$0x10];
	_ =	sdelay $0x4  }
0x29: {  	v49 =	vshll.u32 v3, $0x1  }
0x2a: {  	v3 =	vand.u32 $0x7, v3;
	v4 =	vand.u32 $0xFFFFFFF0, v49  }
0x2b: {  	v3 =	vor.u32 v3, v4  }
0x2c: {  	v4 =	vperm.xlane v3, v0;
	_ =	sdelay $0x1  }
0x2d: {  	v3 =	vperm.xlane v3, v2;
	v4 =	vadd.s32 v1, v4;
	_ =	sdelay $0x1  }
0x2e: {  	v3 =	vadd.s32 v1, v3;
	_ =	sdelay $0x1  }
0x2f: {  	s0 =	rddreg [dreg:$0x6]  }
0x30: {  	[tilespmem:s0], [sflag:$0x1] =	stream.indirect_vreg.gather [hbm4b:s3+s2], $0x80, v4, vm0, $0xb8;
	[tilespmem:$0x10100] =	vst v63  }
0x31: {  	s7 =	rddreg [dreg:$0x7]  }
0x32: {  	[tilespmem:s7], [sflag:$0x1] =	stream.indirect_vreg.gather [hbm4b:s3+s2], $0x80, v3, vm0, $0xb8;
	[tilespmem:$0x10100] =	vst v63  }
0x33: {  	v3 =	vld [tilespmem:$0x20];
	_ =	sdelay $0x4  }
0x34: {  	v50 =	vshll.u32 v3, $0x1  }
0x35: {  	v3 =	vand.u32 $0x7, v3;
	v4 =	vand.u32 $0xFFFFFFF0, v50  }
0x36: {  	v3 =	vor.u32 v3, v4  }
0x37: {  	v4 =	vperm.xlane v3, v0;
	_ =	sdelay $0x1  }
0x38: {  	v3 =	vperm.xlane v3, v2;
	v4 =	vadd.s32 v1, v4;
	_ =	sdelay $0x1  }
0x39: {  	v3 =	vadd.s32 v1, v3;
	_ =	sdelay $0x1  }
0x3a: {  	s0 =	rddreg [dreg:$0x8]  }
0x3b: {  	[tilespmem:s0], [sflag:$0x1] =	stream.indirect_vreg.gather [hbm4b:s3+s2], $0x80, v4, vm0, $0xb8;
	[tilespmem:$0x10100] =	vst v63  }
0x3c: {  	s7 =	rddreg [dreg:$0x9]  }
0x3d: {  	[tilespmem:s7], [sflag:$0x1] =	stream.indirect_vreg.gather [hbm4b:s3+s2], $0x80, v3, vm0, $0xb8;
	[tilespmem:$0x10100] =	vst v63  }
0x3e: {  	v3 =	vld [tilespmem:$0x30];
	_ =	sdelay $0x4  }
0x3f: {  	v51 =	vshll.u32 v3, $0x1  }
0x40: {  	v3 =	vand.u32 $0x7, v3;
	v4 =	vand.u32 $0xFFFFFFF0, v51  }
0x41: {  	v3 =	vor.u32 v3, v4  }
0x42: {  	v4 =	vperm.xlane v3, v0;
	_ =	sdelay $0x1  }
0x43: {  	v3 =	vperm.xlane v3, v2;
	v4 =	vadd.s32 v1, v4;
	_ =	sdelay $0x1  }
0x44: {  	v3 =	vadd.s32 v1, v3;
	_ =	sdelay $0x1  }
0x45: {  	s0 =	rddreg [dreg:$0xa]  }
0x46: {  	[tilespmem:s0], [sflag:$0x1] =	stream.indirect_vreg.gather [hbm4b:s3+s2], $0x80, v4, vm0, $0xb8;
	[tilespmem:$0x10100] =	vst v63  }
0x47: {  	s7 =	rddreg [dreg:$0xb]  }
0x48: {  	[tilespmem:s7], [sflag:$0x1] =	stream.indirect_vreg.gather [hbm4b:s3+s2], $0x80, v3, vm0, $0xb8;
	[tilespmem:$0x10100] =	vst v63  }
0x49: {  	v3 =	vld [tilespmem:$0x40];
	_ =	sdelay $0x4  }
0x4a: {  	v52 =	vshll.u32 v3, $0x1  }
0x4b: {  	v3 =	vand.u32 $0x7, v3;
	v4 =	vand.u32 $0xFFFFFFF0, v52  }
0x4c: {  	v3 =	vor.u32 v3, v4  }
0x4d: {  	v4 =	vperm.xlane v3, v0;
	_ =	sdelay $0x1  }
0x4e: {  	v3 =	vperm.xlane v3, v2;
	v4 =	vadd.s32 v1, v4;
	_ =	sdelay $0x1  }
0x4f: {  	v3 =	vadd.s32 v1, v3;
	_ =	sdelay $0x1  }
0x50: {  	s0 =	rddreg [dreg:$0xc]  }
0x51: {  	[tilespmem:s0], [sflag:$0x1] =	stream.indirect_vreg.gather [hbm4b:s3+s2], $0x80, v4, vm0, $0xb8;
	[tilespmem:$0x10100] =	vst v63  }
0x52: {  	s7 =	rddreg [dreg:$0xd]  }
0x53: {  	[tilespmem:s7], [sflag:$0x1] =	stream.indirect_vreg.gather [hbm4b:s3+s2], $0x80, v3, vm0, $0xb8;
	[tilespmem:$0x10100] =	vst v63  }
0x54: {  	v3 =	vld [tilespmem:$0x50];
	_ =	sdelay $0x4  }
0x55: {  	v53 =	vshll.u32 v3, $0x1  }
0x56: {  	v3 =	vand.u32 $0x7, v3;
	v4 =	vand.u32 $0xFFFFFFF0, v53  }
0x57: {  	v3 =	vor.u32 v3, v4  }
0x58: {  	v4 =	vperm.xlane v3, v0;
	_ =	sdelay $0x1  }
0x59: {  	v3 =	vperm.xlane v3, v2;
	v4 =	vadd.s32 v1, v4;
	_ =	sdelay $0x1  }
0x5a: {  	v3 =	vadd.s32 v1, v3;
	_ =	sdelay $0x1  }
0x5b: {  	s7 =	rddreg [dreg:$0xe]  }
0x5c: {  	[tilespmem:s7], [sflag:$0x1] =	stream.indirect_vreg.gather [hbm4b:s3+s2], $0x80, v4, vm0, $0xb8;
	[tilespmem:$0x10100] =	vst v63  }
0x5d: {  	s7 =	simm.s32 $0x5900  }
0x5e: {  	[tilespmem:s7], [sflag:$0x1] =	stream.indirect_vreg.gather [hbm4b:s3+s2], $0x80, v3, vm0, $0xb8;
	[tilespmem:$0x10100] =	vst v63  }
0x5f: {  	v3 =	vld [tilespmem:$0x60];
	_ =	sdelay $0x4  }
0x60: {  	v54 =	vshll.u32 v3, $0x1  }
0x61: {  	v3 =	vand.u32 $0x7, v3;
	v4 =	vand.u32 $0xFFFFFFF0, v54  }
0x62: {  	v3 =	vor.u32 v3, v4  }
0x63: {  	v4 =	vperm.xlane v3, v0;
	_ =	sdelay $0x1  }
0x64: {  	v3 =	vperm.xlane v3, v2;
	v4 =	vadd.s32 v1, v4;
	_ =	sdelay $0x1  }
0x65: {  	v3 =	vadd.s32 v1, v3;
	_ =	sdelay $0x2  }
0x66: {  	[tilespmem:s8], [sflag:$0x1] =	stream.indirect_vreg.gather [hbm4b:s3+s2], $0x80, v4, vm0, $0xb8;
	[tilespmem:$0x10100] =	vst v63  }
0x67: {  	_ = 	snop  }
0x68: {  	[tilespmem:s9], [sflag:$0x1] =	stream.indirect_vreg.gather [hbm4b:s3+s2], $0x80, v3, vm0, $0xb8;
	[tilespmem:$0x10100] =	vst v63  }
0x69: {  	v3 =	vld [tilespmem:$0x70];
	_ =	sdelay $0x4  }
0x6a: {  	v55 =	vshll.u32 v3, $0x1  }
0x6b: {  	v3 =	vand.u32 $0x7, v3;
	v4 =	vand.u32 $0xFFFFFFF0, v55  }
0x6c: {  	v3 =	vor.u32 v3, v4  }
0x6d: {  	v4 =	vperm.xlane v3, v0;
	_ =	sdelay $0x1  }
0x6e: {  	v3 =	vperm.xlane v3, v2;
	v4 =	vadd.s32 v1, v4;
	_ =	sdelay $0x1  }
0x6f: {  	v3 =	vadd.s32 v1, v3;
	_ =	sdelay $0x2  }
0x70: {  	[tilespmem:s10], [sflag:$0x1] =	stream.indirect_vreg.gather [hbm4b:s3+s2], $0x80, v4, vm0, $0xb8;
	[tilespmem:$0x10100] =	vst v63  }
0x71: {  	_ = 	snop  }
0x72: {  	[tilespmem:s11], [sflag:$0x1] =	stream.indirect_vreg.gather [hbm4b:s3+s2], $0x80, v3, vm0, $0xb8;
	[tilespmem:$0x10100] =	vst v63  }
0x73: {  	v3 =	vld [tilespmem:$0x80];
	_ =	sdelay $0x4  }
0x74: {  	v56 =	vshll.u32 v3, $0x1  }
0x75: {  	v3 =	vand.u32 $0x7, v3;
	v4 =	vand.u32 $0xFFFFFFF0, v56  }
0x76: {  	v3 =	vor.u32 v3, v4  }
0x77: {  	v4 =	vperm.xlane v3, v0;
	_ =	sdelay $0x1  }
0x78: {  	v3 =	vperm.xlane v3, v2;
	v4 =	vadd.s32 v1, v4;
	_ =	sdelay $0x1  }
0x79: {  	v3 =	vadd.s32 v1, v3;
	_ =	sdelay $0x2  }
0x7a: {  	[tilespmem:s12], [sflag:$0x2] =	stream.indirect_vreg.gather [hbm4b:s3+s2], $0x80, v4, vm0, $0xb8;
	[tilespmem:$0x10100] =	vst v63  }
0x7b: {  	_ = 	snop  }
0x7c: {  	[tilespmem:s13], [sflag:$0x2] =	stream.indirect_vreg.gather [hbm4b:s3+s2], $0x80, v3, vm0, $0xb8;
	[tilespmem:$0x10100] =	vst v63  }
0x7d: {  	v3 =	vld [tilespmem:$0x90];
	_ =	sdelay $0x4  }
0x7e: {  	v57 =	vshll.u32 v3, $0x1  }
0x7f: {  	v3 =	vand.u32 $0x7, v3;
	v4 =	vand.u32 $0xFFFFFFF0, v57  }
0x80: {  	v3 =	vor.u32 v3, v4  }
0x81: {  	v4 =	vperm.xlane v3, v0;
	_ =	sdelay $0x1  }
0x82: {  	v3 =	vperm.xlane v3, v2;
	v4 =	vadd.s32 v1, v4;
	_ =	sdelay $0x1  }
0x83: {  	v3 =	vadd.s32 v1, v3;
	_ =	sdelay $0x2  }
0x84: {  	[tilespmem:s14], [sflag:$0x2] =	stream.indirect_vreg.gather [hbm4b:s3+s2], $0x80, v4, vm0, $0xb8;
	[tilespmem:$0x10100] =	vst v63  }
0x85: {  	_ = 	snop  }
0x86: {  	[tilespmem:s15], [sflag:$0x2] =	stream.indirect_vreg.gather [hbm4b:s3+s2], $0x80, v3, vm0, $0xb8;
	[tilespmem:$0x10100] =	vst v63  }
0x87: {  	v3 =	vld [tilespmem:$0xA0];
	_ =	sdelay $0x4  }
0x88: {  	v58 =	vshll.u32 v3, $0x1  }
0x89: {  	v3 =	vand.u32 $0x7, v3;
	v4 =	vand.u32 $0xFFFFFFF0, v58  }
0x8a: {  	v3 =	vor.u32 v3, v4  }
0x8b: {  	v4 =	vperm.xlane v3, v0;
	_ =	sdelay $0x1  }
0x8c: {  	v3 =	vperm.xlane v3, v2;
	v4 =	vadd.s32 v1, v4;
	_ =	sdelay $0x1  }
0x8d: {  	v3 =	vadd.s32 v1, v3;
	_ =	sdelay $0x2  }
0x8e: {  	[tilespmem:s16], [sflag:$0x2] =	stream.indirect_vreg.gather [hbm4b:s3+s2], $0x80, v4, vm0, $0xb8;
	[tilespmem:$0x10100] =	vst v63  }
0x8f: {  	_ = 	snop  }
0x90: {  	[tilespmem:s17], [sflag:$0x2] =	stream.indirect_vreg.gather [hbm4b:s3+s2], $0x80, v3, vm0, $0xb8;
	[tilespmem:$0x10100] =	vst v63  }
0x91: {  	v3 =	vld [tilespmem:$0xB0];
	_ =	sdelay $0x4  }
0x92: {  	v59 =	vshll.u32 v3, $0x1  }
0x93: {  	v3 =	vand.u32 $0x7, v3;
	v4 =	vand.u32 $0xFFFFFFF0, v59  }
0x94: {  	v3 =	vor.u32 v3, v4  }
0x95: {  	v4 =	vperm.xlane v3, v0;
	_ =	sdelay $0x1  }
0x96: {  	v3 =	vperm.xlane v3, v2;
	v4 =	vadd.s32 v1, v4;
	_ =	sdelay $0x1  }
0x97: {  	v3 =	vadd.s32 v1, v3;
	_ =	sdelay $0x2  }
0x98: {  	[tilespmem:s18], [sflag:$0x2] =	stream.indirect_vreg.gather [hbm4b:s3+s2], $0x80, v4, vm0, $0xb8;
	[tilespmem:$0x10100] =	vst v63  }
0x99: {  	_ = 	snop  }
0x9a: {  	[tilespmem:s19], [sflag:$0x2] =	stream.indirect_vreg.gather [hbm4b:s3+s2], $0x80, v3, vm0, $0xb8;
	[tilespmem:$0x10100] =	vst v63  }
0x9b: {  	v3 =	vld [tilespmem:$0xC0];
	_ =	sdelay $0x4  }
0x9c: {  	v60 =	vshll.u32 v3, $0x1  }
0x9d: {  	v3 =	vand.u32 $0x7, v3;
	v4 =	vand.u32 $0xFFFFFFF0, v60  }
0x9e: {  	v3 =	vor.u32 v3, v4  }
0x9f: {  	v4 =	vperm.xlane v3, v0;
	_ =	sdelay $0x1  }
0xa0: {  	v3 =	vperm.xlane v3, v2;
	v4 =	vadd.s32 v1, v4;
	_ =	sdelay $0x1  }
0xa1: {  	v3 =	vadd.s32 v1, v3;
	_ =	sdelay $0x2  }
0xa2: {  	[tilespmem:s20], [sflag:$0x2] =	stream.indirect_vreg.gather [hbm4b:s3+s2], $0x80, v4, vm0, $0xb8;
	[tilespmem:$0x10100] =	vst v63  }
0xa3: {  	_ = 	snop  }
0xa4: {  	[tilespmem:s21], [sflag:$0x2] =	stream.indirect_vreg.gather [hbm4b:s3+s2], $0x80, v3, vm0, $0xb8;
	[tilespmem:$0x10100] =	vst v63  }
0xa5: {  	v3 =	vld [tilespmem:$0xD0];
	_ =	sdelay $0x4  }
0xa6: {  	v61 =	vshll.u32 v3, $0x1  }
0xa7: {  	v3 =	vand.u32 $0x7, v3;
	v4 =	vand.u32 $0xFFFFFFF0, v61  }
0xa8: {  	v3 =	vor.u32 v3, v4  }
0xa9: {  	v4 =	vperm.xlane v3, v0;
	_ =	sdelay $0x1  }
0xaa: {  	v3 =	vperm.xlane v3, v2;
	v4 =	vadd.s32 v1, v4;
	_ =	sdelay $0x1  }
0xab: {  	v3 =	vadd.s32 v1, v3;
	_ =	sdelay $0x2  }
0xac: {  	[tilespmem:s22], [sflag:$0x2] =	stream.indirect_vreg.gather [hbm4b:s3+s2], $0x80, v4, vm0, $0xb8;
	[tilespmem:$0x10100] =	vst v63  }
0xad: {  	_ = 	snop  }
0xae: {  	[tilespmem:s23], [sflag:$0x2] =	stream.indirect_vreg.gather [hbm4b:s3+s2], $0x80, v3, vm0, $0xb8;
	[tilespmem:$0x10100] =	vst v63  }
0xaf: {  	v3 =	vld [tilespmem:$0xE0];
	_ =	sdelay $0x4  }
0xb0: {  	v62 =	vshll.u32 v3, $0x1  }
0xb1: {  	v3 =	vand.u32 $0x7, v3;
	v4 =	vand.u32 $0xFFFFFFF0, v62  }
0xb2: {  	v3 =	vor.u32 v3, v4  }
0xb3: {  	v4 =	vperm.xlane v3, v0;
	_ =	sdelay $0x1  }
0xb4: {  	v3 =	vperm.xlane v3, v2;
	v4 =	vadd.s32 v1, v4;
	_ =	sdelay $0x1  }
0xb5: {  	v3 =	vadd.s32 v1, v3;
	_ =	sdelay $0x2  }
0xb6: {  	[tilespmem:s24], [sflag:$0x2] =	stream.indirect_vreg.gather [hbm4b:s3+s2], $0x80, v4, vm0, $0xb8;
	[tilespmem:$0x10100] =	vst v63  }
0xb7: {  	_ = 	snop  }
0xb8: {  	[tilespmem:s25], [sflag:$0x2] =	stream.indirect_vreg.gather [hbm4b:s3+s2], $0x80, v3, vm0, $0xb8;
	[tilespmem:$0x10100] =	vst v63  }
0xb9: {  	v3 =	vld [tilespmem:$0xF0];
	_ =	sdelay $0x4  }
0xba: {  	v63 =	vshll.u32 v3, $0x1  }
0xbb: {  	v3 =	vand.u32 $0x7, v3;
	v4 =	vand.u32 $0xFFFFFFF0, v63  }
0xbc: {  	v3 =	vor.u32 v3, v4  }
0xbd: {  	v4 =	vperm.xlane v3, v0;
	_ =	sdelay $0x1  }
0xbe: {  	v3 =	vperm.xlane v3, v2;
	v4 =	vadd.s32 v1, v4;
	_ =	sdelay $0x1  }
0xbf: {  	v3 =	vadd.s32 v1, v3;
	_ =	sdelay $0x2  }
0xc0: {  	[tilespmem:s26], [sflag:$0x2] =	stream.indirect_vreg.gather [hbm4b:s3+s2], $0x80, v4, vm0, $0xb8;
	[tilespmem:$0x10100] =	vst v63  }
0xc1: {  	_ = 	snop  }
0xc2: {  	[tilespmem:s28], [sflag:$0x2] =	stream.indirect_vreg.gather [hbm4b:s3+s2], $0x80, v3, vm0, $0xb8;
	[tilespmem:$0x10100] =	vst v63  }
0xc3: {  	_ =	swait.ge [sflag:s29], $0x8000  }
0xc4: {  	[sflag:s29] =	ssyncset.done $0x0  }
0xc5: {  	s7 =	rddreg [dreg:$0x3];
	[sflag:s29] =	ssyncadd.s32 $0xFFFF8000  }
0xc6: {  	[hbm4b:s7+s2] =	stream.linear.scatter [tilespmem:s6], [sflag:$0x3], $0x8000, $0x38;
	[tilespmem:$0x10100] =	vst v63  }
0xc7: {  	_ =	swait.ge [sflag:s30], $0x8000  }
0xc8: {  	[sflag:s30] =	ssyncset.done $0x0  }
0xc9: {  	s7 =	rddreg [dreg:$0x4];
	[sflag:s30] =	ssyncadd.s32 $0xFFFF8000  }
0xca: {  	[hbm4b:s7+s2] =	stream.linear.scatter [tilespmem:s12], [sflag:$0x4], $0x8000, $0x38;
	[tilespmem:$0x10100] =	vst v63  }
0xcb: {  	p0 =	sne.s32 s4, $0x1;
	_ =	swait.ge [sflag:s31], $0x8000  }
.Ltmp0:
0xcc: {  	[sflag:s31] =	ssyncset.done $0x0;
	(pc) =	sbr.rel @p0 .LBB2_1-.Ltmp0, $4  }
0xcd: {  	[sflag:s31] =	ssyncadd.s32 $0xFFFF8000  }
0xce: {  	_ =	swait.ge [sflag:s1], $0x8000  }
0xcf: {  	[sflag:s1] =	ssyncset.done $0x0  }
0xd0: {  	s4 =	sadd.s32 $0xFFFFFFFF, s4;
	[sflag:s1] =	ssyncadd.s32 $0xFFFF8000  }
0xd1: {  	_ =	sfence.sel $0x180000  }
0xd2: {  	[bflag:$0x0] =	sbarrier.arrive $0xFFFF  }
0xd3: {  	_ =	strace $0x90000047  }
0xd4: {  	s0 =	stileid.u32;
	[bflag:$0x2] =	sbarrier.arrive $0xFFFF  }
0xd5: {  	p0 =	sne.s32 s0, $0x0;
	s0 =	rddreg [dreg:$0x1]  }
0xd6: {  	s0 =	sadd.s32 @!p0 $0x100000, s0  }
0xd7: {  	[sflag:s0] =	ssyncadd.tile.s32 @!p0 $0x1;
	_ =	shalt  }
.Lfunc_end2:
_tile_overlayer_lowered:
.L_overlay_start_2:
0xd8: {  	(tag) =	ssettag $0x2  }
0xd9: {  	s0 =	rddreg [dreg:$0x0];
	s2 =	stileid.u32  }
0xda: {  	s1 =	rddreg [dreg:$0x1];
	p0 =	sne.s32 s2, $0x0  }
0xdb: {  	s3 =	rddreg [dreg:$0x2];
	[bflag:$0x3] =	sbarrier.arrive $0xFFFF;
	s2 =	simm.s32 @!p0 $0x1C05  }
0xdc: {  	[timem:s3], [sflag:s2] =	dma.local @!p0 [hbm:s0], s1  }
0xdd: {  	s0 =	simm.s32 @!p0 $0x5  }
0xde: {  	_ =	swait.ge @!p0 [sflag:s0], s1  }
0xdf: {  	s1 =	ssub.s32 @!p0 $0x0, s1;
	[sflag:s0] =	ssyncset.done @!p0 $0x0  }
0xe0: {  	[sflag:s0] =	ssyncadd.s32 @!p0 s1  }
0xe1: {  	[bflag:$0x3] =	sbarrier.arrive $0xFFFF  }
0xe2: {  	_ =	shalt  }

</sc_bundles>
